<compile_context>
chip_gen: v7x
topology: tpu7x:2x2x1
jax: 0.10.2.dev20260603
libtpu: 0.0.44.dev20260713+nightly
codegen_flags: <defaults>
</compile_context>

<pallas_src>
import functools

import jax
import jax.numpy as jnp
from jax import lax
from jax.experimental import pallas as pl
from jax.experimental.pallas import tpu as pltpu
from jax.experimental.pallas import tpu_sc as plsc

N_NODES = 10000
E = 320000
D = 128
H = 128
B = 1024

NC = 1
NS = 16
NPAD = 10240
EP = E // NS
EH = EP // 2
SL = NPAD // NS
L = 16

_mesh = plsc.VectorSubcoreMesh(
    core_axis_name="c", subcore_axis_name="s", num_cores=NC, num_subcores=NS
)


@functools.partial(
    pl.kernel,
    out_type=jax.ShapeDtypeStruct((2 * NPAD,), jnp.float32),
    mesh=_mesh,
    compiler_params=pltpu.CompilerParams(needs_layout_passes=False),
    scratch_types=[
        pltpu.VMEM((EP,), jnp.int32),
        pltpu.VMEM((EP,), jnp.int32),
        pltpu.VMEM((NPAD,), jnp.int32),
        pltpu.VMEM((NPAD,), jnp.int32),
        pltpu.VMEM((NPAD,), jnp.int32),
        pltpu.VMEM((B,), jnp.int32),
        pltpu.VMEM((NS, SL), jnp.int32),
        pltpu.VMEM((SL,), jnp.int32),
        pltpu.VMEM((SL,), jnp.int32),
        pltpu.VMEM((SL,), jnp.float32),
        pltpu.VMEM((SL,), jnp.float32),
        pltpu.VMEM_SHARED((NS, NPAD), jnp.int32),
        pltpu.VMEM_SHARED((NPAD,), jnp.int32),
        pltpu.SemaphoreType.DMA,
        pltpu.SemaphoreType.DMA,
        pltpu.SemaphoreType.DMA,
    ],
)
def _sc_bfs_masks(edges_hbm, ids_hbm, out_hbm,
                  src_v, dst_v, mask0_v, f1_v, f2_v, ids_v,
                  slice_v, comb1_v, comb2_v, oa_v, ob_v,
                  stage_sh, comb_sh, sem_a, sem_b, sem_i):
    tid = lax.axis_index("s")
    ebase = pl.multiple_of(tid * EP, 8)
    nbase = pl.multiple_of(tid * SL, 8)

    cp_s1 = pltpu.async_copy(edges_hbm.at[pl.ds(ebase, EH)],
                             src_v.at[pl.ds(0, EH)], sem_a)
    cp_d1 = pltpu.async_copy(edges_hbm.at[pl.ds(E + ebase, EH)],
                             dst_v.at[pl.ds(0, EH)], sem_a)
    cp_s2 = pltpu.async_copy(edges_hbm.at[pl.ds(ebase + EH, EH)],
                             src_v.at[pl.ds(EH, EH)], sem_b)
    cp_d2 = pltpu.async_copy(edges_hbm.at[pl.ds(E + ebase + EH, EH)],
                             dst_v.at[pl.ds(EH, EH)], sem_b)
    cp_i = pltpu.async_copy(ids_hbm, ids_v, sem_i)

    zeros = jnp.zeros((L,), jnp.int32)
    ones = jnp.ones((L,), jnp.int32)

    @plsc.parallel_loop(0, NPAD, step=L, unroll=8)
    def _(i):
        off = pl.multiple_of(i, 8)
        mask0_v[pl.ds(off, L)] = zeros
        f1_v[pl.ds(off, L)] = zeros
        f2_v[pl.ds(off, L)] = zeros

    cp_i.wait()

    @plsc.parallel_loop(0, B, step=L, unroll=4)
    def _(i):
        off = pl.multiple_of(i, 8)
        plsc.store_scatter(mask0_v, [ids_v[pl.ds(off, L)]], ones)

    def edge_pass(cur_ref, front_ref, lo, hi):
        @plsc.parallel_loop(lo, hi, step=L, unroll=8)
        def _(i):
            off = pl.multiple_of(i, 8)
            sv = src_v[pl.ds(off, L)]
            dv = dst_v[pl.ds(off, L)]
            fr = plsc.load_gather(cur_ref, [sv])
            plsc.store_scatter(front_ref, [dv], ones, mask=fr > 0)

    def combine(front_ref, comb_slice_ref):
        pltpu.sync_copy(front_ref, stage_sh.at[tid])
        plsc.subcore_barrier()
        pltpu.sync_copy(stage_sh.at[:, pl.ds(nbase, SL)], slice_v)

        @plsc.parallel_loop(0, SL, step=L, unroll=4)
        def _(j):
            joff = pl.multiple_of(j, 8)
            acc = slice_v[0, pl.ds(joff, L)]
            for r in range(1, NS):
                acc = jnp.maximum(acc, slice_v[r, pl.ds(joff, L)])
            comb_slice_ref[pl.ds(joff, L)] = acc

    cp_s1.wait()
    cp_d1.wait()
    edge_pass(mask0_v, f1_v, 0, EH)
    cp_s2.wait()
    cp_d2.wait()
    edge_pass(mask0_v, f1_v, EH, EP)
    combine(f1_v, comb1_v)
    pltpu.sync_copy(comb1_v, comb_sh.at[pl.ds(nbase, SL)])
    plsc.subcore_barrier()
    pltpu.sync_copy(comb_sh, f1_v)

    edge_pass(f1_v, f2_v, 0, EP)
    combine(f2_v, comb2_v)

    @plsc.parallel_loop(0, SL, step=L, unroll=4)
    def _(j):
        joff = pl.multiple_of(j, 8)
        a = comb1_v[pl.ds(joff, L)]
        u = jnp.maximum(a, comb2_v[pl.ds(joff, L)])
        oa_v[pl.ds(joff, L)] = a.astype(jnp.float32)
        ob_v[pl.ds(joff, L)] = u.astype(jnp.float32)

    pltpu.sync_copy(oa_v, out_hbm.at[pl.ds(nbase, SL)])
    ubase = pl.multiple_of(NPAD + tid * SL, 8)
    pltpu.sync_copy(ob_v, out_hbm.at[pl.ds(ubase, SL)])


def _tc_body(masks_ref, emb_ref, w0_ref, b0_ref, w1_ref, b1_ref,
             wo_ref, bo_ref, out_ref):
    hi = jax.lax.Precision.HIGHEST
    masks = masks_ref[...]
    cnt = jnp.sum(masks, axis=1)
    sums = lax.dot_general(masks[:, :N_NODES], emb_ref[...],
                           (((1,), (0,)), ((), ())), precision=hi)
    agg = jnp.where((cnt > 0)[:, None],
                    sums / jnp.maximum(cnt, 1.0)[:, None], 0.0)
    h0 = jnp.maximum(
        lax.dot_general(agg[0:1], w0_ref[...], (((1,), (1,)), ((), ())),
                        precision=hi) + b0_ref[...], 0.0)
    h1 = jnp.maximum(
        lax.dot_general(agg[1:2], w1_ref[...], (((1,), (1,)), ((), ())),
                        precision=hi) + b1_ref[...], 0.0)
    combined = jnp.concatenate([h0, h1], axis=1)
    row = lax.dot_general(combined, wo_ref[...], (((1,), (1,)), ((), ())),
                          precision=hi) + bo_ref[...]
    out_ref[...] = jnp.broadcast_to(row, (B, D))


_tc_head = pl.pallas_call(
    _tc_body,
    out_shape=jax.ShapeDtypeStruct((B, D), jnp.float32),
)


def kernel(node_emb, edge_index, node_ids, W_hop0, b_hop0, W_hop1, b_hop1,
           W_out, b_out):
    masks = _sc_bfs_masks(edge_index.reshape(-1), node_ids).reshape(2, NPAD)
    return _tc_head(masks, node_emb, W_hop0, b_hop0.reshape(1, H),
                    W_hop1, b_hop1.reshape(1, H), W_out, b_out.reshape(1, D))

# --- scband reference (transcript-rebuilt; emitter-appended) ---
"""Pipeline reference for scband-subgraph-encoder-36919538876935 (READ-ONLY COPY).

The authoritative reference and input builder live on the scoring server;
editing this copy changes nothing except your own understanding.
"""

import jax, jax.numpy as jnp
import numpy as np

N_NODES = 10000
E = 320000
D = 128
H = 128
HOPS = 2
B = 1024


def setup_inputs(seed: int = 0) -> dict:
    key = jax.random.key(seed)
    ks = jax.random.split(key, 10)
    node_emb = jax.random.normal(ks[0], (N_NODES, D), dtype=jnp.float32)
    edge_index = jax.random.randint(ks[1], (2, E), 0, N_NODES, dtype=jnp.int32)
    node_ids = jax.random.randint(ks[2], (B,), 0, N_NODES, dtype=jnp.int32)
    W_hop0 = jax.random.normal(ks[3], (H, D), dtype=jnp.float32) * (1.0 / np.sqrt(D))
    b_hop0 = jnp.zeros((H,), dtype=jnp.float32)
    W_hop1 = jax.random.normal(ks[4], (H, D), dtype=jnp.float32) * (1.0 / np.sqrt(D))
    b_hop1 = jnp.zeros((H,), dtype=jnp.float32)
    W_out = jax.random.normal(ks[5], (D, H * HOPS), dtype=jnp.float32) * (1.0 / np.sqrt(H * HOPS))
    b_out = jnp.zeros((D,), dtype=jnp.float32)
    return {"node_emb": node_emb, "edge_index": edge_index, "node_ids": node_ids,
            "W_hop0": W_hop0, "b_hop0": b_hop0, "W_hop1": W_hop1, "b_hop1": b_hop1,
            "W_out": W_out, "b_out": b_out}


def reference(node_emb, edge_index, node_ids, W_hop0, b_hop0, W_hop1, b_hop1, W_out, b_out):
    # Faithful translation of the non-PyG BFS branch (eval mode: dropout = identity).
    N, Dm = node_emb.shape
    src = edge_index[0]
    dst = edge_index[1]
    bsz = node_ids.shape[0]
    hop_params = [(W_hop0, b_hop0), (W_hop1, b_hop1)]
    hop_feats = []
    for k, (W, b) in enumerate(hop_params):
        # BFS from the batch node set: union of frontiers over (k+1) steps.
        cur = jnp.zeros((N,), jnp.int32).at[node_ids].set(1)
        allnb = jnp.zeros((N,), jnp.int32)
        for _ in range(k + 1):
            fr = cur[src]  # gather: is edge source in current frontier
            new = jnp.zeros((N,), jnp.int32).at[dst].max(fr)  # scatter-max to dst
            allnb = jnp.maximum(allnb, new)
            cur = new
        maskf = allnb.astype(node_emb.dtype)
        cnt = maskf.sum()
        summed = (node_emb * maskf[:, None]).sum(axis=0)
        agg = jnp.where(cnt > 0, summed / jnp.maximum(cnt, 1.0), jnp.zeros_like(summed))
        agg = agg[None, :]  # [1, D] keepdim mean over unique neighbor set
        h = jnp.maximum(agg @ W.T + b[None, :], 0.0)  # Linear + ReLU (dropout skipped, eval)
        hop_feats.append(h)
    combined = jnp.concatenate(hop_feats, axis=-1)  # [1, H*num_hops]
    combined = jnp.tile(combined, (bsz, 1))  # repeat(batch_size, 1)
    return combined @ W_out.T + b_out[None, :]  # [B, D]

if __name__ == "__main__":
    import jax
    _d = setup_inputs()
    print(jax.jit(kernel)(*tuple(_d.values())))

</pallas_src>

<mosaic_0001>
#map = affine_map<(d0, d1) -> (0)>
module attributes {stable_mosaic.version = 14 : i64} {
  func.func @_sc_bfs_masks(%arg0: i32, %arg1: i32, %arg2: memref<640000xi32, #tpu.memory_space<hbm>>, %arg3: memref<1024xi32, #tpu.memory_space<hbm>>, %arg4: memref<20480xf32, #tpu.memory_space<hbm>>, %arg5: memref<20000xi32, #tpu.memory_space<vmem>>, %arg6: memref<20000xi32, #tpu.memory_space<vmem>>, %arg7: memref<10240xi32, #tpu.memory_space<vmem>>, %arg8: memref<10240xi32, #tpu.memory_space<vmem>>, %arg9: memref<10240xi32, #tpu.memory_space<vmem>>, %arg10: memref<1024xi32, #tpu.memory_space<vmem>>, %arg11: memref<16x640xi32, #tpu.memory_space<vmem>>, %arg12: memref<640xi32, #tpu.memory_space<vmem>>, %arg13: memref<640xi32, #tpu.memory_space<vmem>>, %arg14: memref<640xf32, #tpu.memory_space<vmem>>, %arg15: memref<640xf32, #tpu.memory_space<vmem>>, %arg16: memref<16x10240xi32, #tpu.memory_space<vmem_shared>>, %arg17: memref<10240xi32, #tpu.memory_space<vmem_shared>>, %arg18: memref<!tpu.dma_semaphore, #tpu.memory_space<semaphore_mem>>, %arg19: memref<!tpu.dma_semaphore, #tpu.memory_space<semaphore_mem>>, %arg20: memref<!tpu.dma_semaphore, #tpu.memory_space<semaphore_mem>>) attributes {dimension_semantics = [#tpu.dimension_semantics<core_parallel>, #tpu.dimension_semantics<subcore_parallel>], iteration_bounds = array<i64: 1, 16>, scalar_prefetch = 0 : i64, scratch_operands = 16 : i64, tpu.core_type = #tpu.core_type<sc_vector_subcore>, window_params = [{transform_indices = #map}, {transform_indices = #map}, {transform_indices = #map}]} {
    %mul3A = arith.constant 20000 : i32
    %mul3A_0 = arith.muli %arg1, %mul3A : i32
    %multiple_of3A = tpu.assume_multiple %mul3A_0, 8 : i32
    %mul3A_1 = arith.constant 640 : i32
    %mul3A_2 = arith.muli %arg1, %mul3A_1 : i32
    %multiple_of3A_3 = tpu.assume_multiple %mul3A_2, 8 : i32
    %dma_start3A = arith.constant 0 : i32
    %dma_start3A_4 = tpu.memref_slice %arg5[%dma_start3A] : memref<20000xi32, #tpu.memory_space<vmem>> -> memref<10000xi32, #tpu.memory_space<vmem>>
    %dma_start3A_5 = tpu.memref_slice %arg2[%multiple_of3A] : memref<640000xi32, #tpu.memory_space<hbm>> -> memref<10000xi32, #tpu.memory_space<hbm>>
    %dma_start3A_6 = arith.constant 0 : i32
    %dma_start3A_7 = tpu.memref_slice %arg5[%dma_start3A_6] : memref<20000xi32, #tpu.memory_space<vmem>> -> memref<10000xi32, #tpu.memory_space<vmem>>
    %dma_start3A_8 = tpu.memref_slice %arg2[%multiple_of3A] : memref<640000xi32, #tpu.memory_space<hbm>> -> memref<10000xi32, #tpu.memory_space<hbm>>
    tpu.enqueue_dma source(%dma_start3A_8 : memref<10000xi32, #tpu.memory_space<hbm>>) target(%dma_start3A_7 : memref<10000xi32, #tpu.memory_space<vmem>>) target_semaphore(%arg18 : memref<!tpu.dma_semaphore, #tpu.memory_space<semaphore_mem>>)
    %add3A = arith.constant 320000 : i32
    %add3A_9 = arith.addi %add3A, %multiple_of3A : i32
    %dma_start3A_10 = arith.constant 0 : i32
    %dma_start3A_11 = tpu.memref_slice %arg6[%dma_start3A_10] : memref<20000xi32, #tpu.memory_space<vmem>> -> memref<10000xi32, #tpu.memory_space<vmem>>
    %dma_start3A_12 = tpu.memref_slice %arg2[%add3A_9] : memref<640000xi32, #tpu.memory_space<hbm>> -> memref<10000xi32, #tpu.memory_space<hbm>>
    %dma_start3A_13 = arith.constant 0 : i32
    %dma_start3A_14 = tpu.memref_slice %arg6[%dma_start3A_13] : memref<20000xi32, #tpu.memory_space<vmem>> -> memref<10000xi32, #tpu.memory_space<vmem>>
    %dma_start3A_15 = tpu.memref_slice %arg2[%add3A_9] : memref<640000xi32, #tpu.memory_space<hbm>> -> memref<10000xi32, #tpu.memory_space<hbm>>
    tpu.enqueue_dma source(%dma_start3A_15 : memref<10000xi32, #tpu.memory_space<hbm>>) target(%dma_start3A_14 : memref<10000xi32, #tpu.memory_space<vmem>>) target_semaphore(%arg18 : memref<!tpu.dma_semaphore, #tpu.memory_space<semaphore_mem>>)
    %add3A_16 = arith.constant 10000 : i32
    %add3A_17 = arith.addi %multiple_of3A, %add3A_16 : i32
    %dma_start3A_18 = arith.constant 10000 : i32
    %dma_start3A_19 = tpu.memref_slice %arg5[%dma_start3A_18] : memref<20000xi32, #tpu.memory_space<vmem>> -> memref<10000xi32, #tpu.memory_space<vmem>>
    %dma_start3A_20 = tpu.memref_slice %arg2[%add3A_17] : memref<640000xi32, #tpu.memory_space<hbm>> -> memref<10000xi32, #tpu.memory_space<hbm>>
    %dma_start3A_21 = arith.constant 10000 : i32
    %dma_start3A_22 = tpu.memref_slice %arg5[%dma_start3A_21] : memref<20000xi32, #tpu.memory_space<vmem>> -> memref<10000xi32, #tpu.memory_space<vmem>>
    %dma_start3A_23 = tpu.memref_slice %arg2[%add3A_17] : memref<640000xi32, #tpu.memory_space<hbm>> -> memref<10000xi32, #tpu.memory_space<hbm>>
    tpu.enqueue_dma source(%dma_start3A_23 : memref<10000xi32, #tpu.memory_space<hbm>>) target(%dma_start3A_22 : memref<10000xi32, #tpu.memory_space<vmem>>) target_semaphore(%arg19 : memref<!tpu.dma_semaphore, #tpu.memory_space<semaphore_mem>>)
    %add3A_24 = arith.constant 320000 : i32
    %add3A_25 = arith.addi %add3A_24, %multiple_of3A : i32
    %add3A_26 = arith.constant 10000 : i32
    %add3A_27 = arith.addi %add3A_25, %add3A_26 : i32
    %dma_start3A_28 = arith.constant 10000 : i32
    %dma_start3A_29 = tpu.memref_slice %arg6[%dma_start3A_28] : memref<20000xi32, #tpu.memory_space<vmem>> -> memref<10000xi32, #tpu.memory_space<vmem>>
    %dma_start3A_30 = tpu.memref_slice %arg2[%add3A_27] : memref<640000xi32, #tpu.memory_space<hbm>> -> memref<10000xi32, #tpu.memory_space<hbm>>
    %dma_start3A_31 = arith.constant 10000 : i32
    %dma_start3A_32 = tpu.memref_slice %arg6[%dma_start3A_31] : memref<20000xi32, #tpu.memory_space<vmem>> -> memref<10000xi32, #tpu.memory_space<vmem>>
    %dma_start3A_33 = tpu.memref_slice %arg2[%add3A_27] : memref<640000xi32, #tpu.memory_space<hbm>> -> memref<10000xi32, #tpu.memory_space<hbm>>
    tpu.enqueue_dma source(%dma_start3A_33 : memref<10000xi32, #tpu.memory_space<hbm>>) target(%dma_start3A_32 : memref<10000xi32, #tpu.memory_space<vmem>>) target_semaphore(%arg19 : memref<!tpu.dma_semaphore, #tpu.memory_space<semaphore_mem>>)
    tpu.enqueue_dma source(%arg3 : memref<1024xi32, #tpu.memory_space<hbm>>) target(%arg10 : memref<1024xi32, #tpu.memory_space<vmem>>) target_semaphore(%arg20 : memref<!tpu.dma_semaphore, #tpu.memory_space<semaphore_mem>>)
    %broadcast_in_dim3A = arith.constant 0 : i32
    %broadcast_in_dim3A_34 = vector.broadcast %broadcast_in_dim3A : i32 to vector<16xi32>
    %broadcast_in_dim3A_35 = arith.constant 1 : i32
    %broadcast_in_dim3A_36 = vector.broadcast %broadcast_in_dim3A_35 : i32 to vector<16xi32>
    %parallel_loop3A = arith.constant 0 : i32
    %parallel_loop3A_37 = arith.constant 10240 : i32
    %parallel_loop3A_38 = arith.constant 16 : i32
    scf.for %parallel_loop3A_90 = %parallel_loop3A to %parallel_loop3A_37 step %parallel_loop3A_38  : i32 {
      %parallel_loop3A_91 = tpu.assume_multiple %parallel_loop3A_90, 8 : i32
      %parallel_loop3A_92 = arith.index_cast %parallel_loop3A_91 : i32 to index
      %parallel_loop3A_93 = tpu.vector_load %arg7[%parallel_loop3A_92] {strides = array<i32>} : memref<10240xi32, #tpu.memory_space<vmem>>, vector<16xi32>,
      tpu.vector_store %arg7[%parallel_loop3A_92], %broadcast_in_dim3A_34 {strides = array<i32>} : memref<10240xi32, #tpu.memory_space<vmem>>, vector<16xi32>,
      %parallel_loop3A_94 = arith.index_cast %parallel_loop3A_91 : i32 to index
      %parallel_loop3A_95 = tpu.vector_load %arg8[%parallel_loop3A_94] {strides = array<i32>} : memref<10240xi32, #tpu.memory_space<vmem>>, vector<16xi32>,
      tpu.vector_store %arg8[%parallel_loop3A_94], %broadcast_in_dim3A_34 {strides = array<i32>} : memref<10240xi32, #tpu.memory_space<vmem>>, vector<16xi32>,
      %parallel_loop3A_96 = arith.index_cast %parallel_loop3A_91 : i32 to index
      %parallel_loop3A_97 = tpu.vector_load %arg9[%parallel_loop3A_96] {strides = array<i32>} : memref<10240xi32, #tpu.memory_space<vmem>>, vector<16xi32>,
      tpu.vector_store %arg9[%parallel_loop3A_96], %broadcast_in_dim3A_34 {strides = array<i32>} : memref<10240xi32, #tpu.memory_space<vmem>>, vector<16xi32>,
    } {sc.loop_unroll_factor = 8 : i64, sc.parallel_access}
    tpu.wait_dma2 semaphore(%arg20 : memref<!tpu.dma_semaphore, #tpu.memory_space<semaphore_mem>>) src(%arg3 : memref<1024xi32, #tpu.memory_space<hbm>>) dst(%arg10 : memref<1024xi32, #tpu.memory_space<vmem>>)
    %parallel_loop3A_39 = arith.constant 0 : i32
    %parallel_loop3A_40 = arith.constant 1024 : i32
    %parallel_loop3A_41 = arith.constant 16 : i32
    scf.for %parallel_loop3A_90 = %parallel_loop3A_39 to %parallel_loop3A_40 step %parallel_loop3A_41  : i32 {
      %parallel_loop3A_91 = tpu.assume_multiple %parallel_loop3A_90, 8 : i32
      %parallel_loop3A_92 = arith.index_cast %parallel_loop3A_91 : i32 to index
      %parallel_loop3A_93 = tpu.vector_load %arg10[%parallel_loop3A_92] {strides = array<i32>} : memref<1024xi32, #tpu.memory_space<vmem>>, vector<16xi32>,
      tpu.vector_store_idx %arg7[%parallel_loop3A_93], %broadcast_in_dim3A_36 : memref<10240xi32, #tpu.memory_space<vmem>>[vector<16xi32>], vector<16xi32>,
    } {sc.loop_unroll_factor = 4 : i64, sc.parallel_access}
    %dma_wait3A = arith.constant 0 : i32
    %dma_wait3A_42 = tpu.memref_slice %arg5[%dma_wait3A] : memref<20000xi32, #tpu.memory_space<vmem>> -> memref<10000xi32, #tpu.memory_space<vmem>>
    %dma_wait3A_43 = tpu.memref_slice %arg2[%multiple_of3A] : memref<640000xi32, #tpu.memory_space<hbm>> -> memref<10000xi32, #tpu.memory_space<hbm>>
    %dma_wait3A_44 = arith.constant 0 : i32
    %dma_wait3A_45 = tpu.memref_slice %arg5[%dma_wait3A_44] : memref<20000xi32, #tpu.memory_space<vmem>> -> memref<10000xi32, #tpu.memory_space<vmem>>
    %dma_wait3A_46 = tpu.memref_slice %arg2[%multiple_of3A] : memref<640000xi32, #tpu.memory_space<hbm>> -> memref<10000xi32, #tpu.memory_space<hbm>>
    tpu.wait_dma2 semaphore(%arg18 : memref<!tpu.dma_semaphore, #tpu.memory_space<semaphore_mem>>) src(%dma_wait3A_46 : memref<10000xi32, #tpu.memory_space<hbm>>) dst(%dma_wait3A_45 : memref<10000xi32, #tpu.memory_space<vmem>>)
    %dma_wait3A_47 = arith.constant 0 : i32
    %dma_wait3A_48 = tpu.memref_slice %arg6[%dma_wait3A_47] : memref<20000xi32, #tpu.memory_space<vmem>> -> memref<10000xi32, #tpu.memory_space<vmem>>
    %dma_wait3A_49 = tpu.memref_slice %arg2[%add3A_9] : memref<640000xi32, #tpu.memory_space<hbm>> -> memref<10000xi32, #tpu.memory_space<hbm>>
    %dma_wait3A_50 = arith.constant 0 : i32
    %dma_wait3A_51 = tpu.memref_slice %arg6[%dma_wait3A_50] : memref<20000xi32, #tpu.memory_space<vmem>> -> memref<10000xi32, #tpu.memory_space<vmem>>
    %dma_wait3A_52 = tpu.memref_slice %arg2[%add3A_9] : memref<640000xi32, #tpu.memory_space<hbm>> -> memref<10000xi32, #tpu.memory_space<hbm>>
    tpu.wait_dma2 semaphore(%arg18 : memref<!tpu.dma_semaphore, #tpu.memory_space<semaphore_mem>>) src(%dma_wait3A_52 : memref<10000xi32, #tpu.memory_space<hbm>>) dst(%dma_wait3A_51 : memref<10000xi32, #tpu.memory_space<vmem>>)
    %parallel_loop3A_53 = arith.constant 0 : i32
    %parallel_loop3A_54 = arith.constant 10000 : i32
    %parallel_loop3A_55 = arith.constant 16 : i32
    scf.for %parallel_loop3A_90 = %parallel_loop3A_53 to %parallel_loop3A_54 step %parallel_loop3A_55  : i32 {
      %parallel_loop3A_91 = tpu.assume_multiple %parallel_loop3A_90, 8 : i32
      %parallel_loop3A_92 = arith.index_cast %parallel_loop3A_91 : i32 to index
      %parallel_loop3A_93 = tpu.vector_load %arg5[%parallel_loop3A_92] {strides = array<i32>} : memref<20000xi32, #tpu.memory_space<vmem>>, vector<16xi32>,
      %parallel_loop3A_94 = arith.index_cast %parallel_loop3A_91 : i32 to index
      %parallel_loop3A_95 = tpu.vector_load %arg6[%parallel_loop3A_94] {strides = array<i32>} : memref<20000xi32, #tpu.memory_space<vmem>>, vector<16xi32>,
      %parallel_loop3A_96 = tpu.vector_load_idx %arg7[%parallel_loop3A_93] : memref<10240xi32, #tpu.memory_space<vmem>>[vector<16xi32>], vector<16xi32>,
      %parallel_loop3A_97 = arith.constant 0 : i32
      %parallel_loop3A_98 = vector.broadcast %parallel_loop3A_97 : i32 to vector<16xi32>
      %parallel_loop3A_99 = arith.cmpi sgt, %parallel_loop3A_96, %parallel_loop3A_98 : vector<16xi32>
      tpu.vector_store_idx %arg8[%parallel_loop3A_95], %broadcast_in_dim3A_36 masked %parallel_loop3A_99 : memref<10240xi32, #tpu.memory_space<vmem>>[vector<16xi32>], vector<16xi32>, vector<16xi1>
    } {sc.loop_unroll_factor = 8 : i64, sc.parallel_access}
    %dma_wait3A_56 = arith.constant 10000 : i32
    %dma_wait3A_57 = tpu.memref_slice %arg5[%dma_wait3A_56] : memref<20000xi32, #tpu.memory_space<vmem>> -> memref<10000xi32, #tpu.memory_space<vmem>>
    %dma_wait3A_58 = tpu.memref_slice %arg2[%add3A_17] : memref<640000xi32, #tpu.memory_space<hbm>> -> memref<10000xi32, #tpu.memory_space<hbm>>
    %dma_wait3A_59 = arith.constant 10000 : i32
    %dma_wait3A_60 = tpu.memref_slice %arg5[%dma_wait3A_59] : memref<20000xi32, #tpu.memory_space<vmem>> -> memref<10000xi32, #tpu.memory_space<vmem>>
    %dma_wait3A_61 = tpu.memref_slice %arg2[%add3A_17] : memref<640000xi32, #tpu.memory_space<hbm>> -> memref<10000xi32, #tpu.memory_space<hbm>>
    tpu.wait_dma2 semaphore(%arg19 : memref<!tpu.dma_semaphore, #tpu.memory_space<semaphore_mem>>) src(%dma_wait3A_61 : memref<10000xi32, #tpu.memory_space<hbm>>) dst(%dma_wait3A_60 : memref<10000xi32, #tpu.memory_space<vmem>>)
    %dma_wait3A_62 = arith.constant 10000 : i32
    %dma_wait3A_63 = tpu.memref_slice %arg6[%dma_wait3A_62] : memref<20000xi32, #tpu.memory_space<vmem>> -> memref<10000xi32, #tpu.memory_space<vmem>>
    %dma_wait3A_64 = tpu.memref_slice %arg2[%add3A_27] : memref<640000xi32, #tpu.memory_space<hbm>> -> memref<10000xi32, #tpu.memory_space<hbm>>
    %dma_wait3A_65 = arith.constant 10000 : i32
    %dma_wait3A_66 = tpu.memref_slice %arg6[%dma_wait3A_65] : memref<20000xi32, #tpu.memory_space<vmem>> -> memref<10000xi32, #tpu.memory_space<vmem>>
    %dma_wait3A_67 = tpu.memref_slice %arg2[%add3A_27] : memref<640000xi32, #tpu.memory_space<hbm>> -> memref<10000xi32, #tpu.memory_space<hbm>>
    tpu.wait_dma2 semaphore(%arg19 : memref<!tpu.dma_semaphore, #tpu.memory_space<semaphore_mem>>) src(%dma_wait3A_67 : memref<10000xi32, #tpu.memory_space<hbm>>) dst(%dma_wait3A_66 : memref<10000xi32, #tpu.memory_space<vmem>>)
    %parallel_loop3A_68 = arith.constant 10000 : i32
    %parallel_loop3A_69 = arith.constant 20000 : i32
    %parallel_loop3A_70 = arith.constant 16 : i32
    scf.for %parallel_loop3A_90 = %parallel_loop3A_68 to %parallel_loop3A_69 step %parallel_loop3A_70  : i32 {
      %parallel_loop3A_91 = tpu.assume_multiple %parallel_loop3A_90, 8 : i32
      %parallel_loop3A_92 = arith.index_cast %parallel_loop3A_91 : i32 to index
      %parallel_loop3A_93 = tpu.vector_load %arg5[%parallel_loop3A_92] {strides = array<i32>} : memref<20000xi32, #tpu.memory_space<vmem>>, vector<16xi32>,
      %parallel_loop3A_94 = arith.index_cast %parallel_loop3A_91 : i32 to index
      %parallel_loop3A_95 = tpu.vector_load %arg6[%parallel_loop3A_94] {strides = array<i32>} : memref<20000xi32, #tpu.memory_space<vmem>>, vector<16xi32>,
      %parallel_loop3A_96 = tpu.vector_load_idx %arg7[%parallel_loop3A_93] : memref<10240xi32, #tpu.memory_space<vmem>>[vector<16xi32>], vector<16xi32>,
      %parallel_loop3A_97 = arith.constant 0 : i32
      %parallel_loop3A_98 = vector.broadcast %parallel_loop3A_97 : i32 to vector<16xi32>
      %parallel_loop3A_99 = arith.cmpi sgt, %parallel_loop3A_96, %parallel_loop3A_98 : vector<16xi32>
      tpu.vector_store_idx %arg8[%parallel_loop3A_95], %broadcast_in_dim3A_36 masked %parallel_loop3A_99 : memref<10240xi32, #tpu.memory_space<vmem>>[vector<16xi32>], vector<16xi32>, vector<16xi1>
    } {sc.loop_unroll_factor = 8 : i64, sc.parallel_access}
    "tpu.region"() ({
      %run_scoped3A = tpu.sem_alloc : memref<!tpu.dma_semaphore, #tpu.memory_space<semaphore_mem>>
      %dma_start3A_90 = arith.constant 0 : i32
      %dma_start3A_91 = tpu.memref_slice %arg16[%arg1, %dma_start3A_90] : memref<16x10240xi32, #tpu.memory_space<vmem_shared>> -> memref<1x10240xi32, #tpu.memory_space<vmem_shared>>
      %dma_start3A_92 = tpu.memref_squeeze %dma_start3A_91 : memref<1x10240xi32, #tpu.memory_space<vmem_shared>> -> memref<10240xi32, #tpu.memory_space<vmem_shared>>
      %dma_start3A_93 = arith.constant 0 : i32
      %dma_start3A_94 = tpu.memref_slice %arg16[%arg1, %dma_start3A_93] : memref<16x10240xi32, #tpu.memory_space<vmem_shared>> -> memref<1x10240xi32, #tpu.memory_space<vmem_shared>>
      %dma_start3A_95 = tpu.memref_squeeze %dma_start3A_94 : memref<1x10240xi32, #tpu.memory_space<vmem_shared>> -> memref<10240xi32, #tpu.memory_space<vmem_shared>>
      tpu.enqueue_dma source(%arg8 : memref<10240xi32, #tpu.memory_space<vmem>>) target(%dma_start3A_95 : memref<10240xi32, #tpu.memory_space<vmem_shared>>) target_semaphore(%run_scoped3A : memref<!tpu.dma_semaphore, #tpu.memory_space<semaphore_mem>>)
      %dma_wait3A_96 = arith.constant 0 : i32
      %dma_wait3A_97 = tpu.memref_slice %arg16[%arg1, %dma_wait3A_96] : memref<16x10240xi32, #tpu.memory_space<vmem_shared>> -> memref<1x10240xi32, #tpu.memory_space<vmem_shared>>
      %dma_wait3A_98 = tpu.memref_squeeze %dma_wait3A_97 : memref<1x10240xi32, #tpu.memory_space<vmem_shared>> -> memref<10240xi32, #tpu.memory_space<vmem_shared>>
      %dma_wait3A_99 = arith.constant 0 : i32
      %dma_wait3A_100 = tpu.memref_slice %arg16[%arg1, %dma_wait3A_99] : memref<16x10240xi32, #tpu.memory_space<vmem_shared>> -> memref<1x10240xi32, #tpu.memory_space<vmem_shared>>
      %dma_wait3A_101 = tpu.memref_squeeze %dma_wait3A_100 : memref<1x10240xi32, #tpu.memory_space<vmem_shared>> -> memref<10240xi32, #tpu.memory_space<vmem_shared>>
      tpu.wait_dma2 semaphore(%run_scoped3A : memref<!tpu.dma_semaphore, #tpu.memory_space<semaphore_mem>>) src(%arg8 : memref<10240xi32, #tpu.memory_space<vmem>>) dst(%dma_wait3A_101 : memref<10240xi32, #tpu.memory_space<vmem_shared>>)
      tpu.yield
    }) : () -> ()
    %barrier3A = arith.constant 0 : index
    tpu.barrier barrier_id(%barrier3A)
    "tpu.region"() ({
      %run_scoped3A = tpu.sem_alloc : memref<!tpu.dma_semaphore, #tpu.memory_space<semaphore_mem>>
      %dma_start3A_90 = arith.constant 0 : i32
      %dma_start3A_91 = tpu.memref_slice %arg16[%dma_start3A_90, %multiple_of3A_3] : memref<16x10240xi32, #tpu.memory_space<vmem_shared>> -> memref<16x640xi32, #tpu.memory_space<vmem_shared>>
      %dma_start3A_92 = arith.constant 0 : i32
      %dma_start3A_93 = tpu.memref_slice %arg16[%dma_start3A_92, %multiple_of3A_3] : memref<16x10240xi32, #tpu.memory_space<vmem_shared>> -> memref<16x640xi32, #tpu.memory_space<vmem_shared>>
      tpu.enqueue_dma source(%dma_start3A_93 : memref<16x640xi32, #tpu.memory_space<vmem_shared>>) target(%arg11 : memref<16x640xi32, #tpu.memory_space<vmem>>) target_semaphore(%run_scoped3A : memref<!tpu.dma_semaphore, #tpu.memory_space<semaphore_mem>>)
      %dma_wait3A_94 = arith.constant 0 : i32
      %dma_wait3A_95 = tpu.memref_slice %arg16[%dma_wait3A_94, %multiple_of3A_3] : memref<16x10240xi32, #tpu.memory_space<vmem_shared>> -> memref<16x640xi32, #tpu.memory_space<vmem_shared>>
      %dma_wait3A_96 = arith.constant 0 : i32
      %dma_wait3A_97 = tpu.memref_slice %arg16[%dma_wait3A_96, %multiple_of3A_3] : memref<16x10240xi32, #tpu.memory_space<vmem_shared>> -> memref<16x640xi32, #tpu.memory_space<vmem_shared>>
      tpu.wait_dma2 semaphore(%run_scoped3A : memref<!tpu.dma_semaphore, #tpu.memory_space<semaphore_mem>>) src(%dma_wait3A_97 : memref<16x640xi32, #tpu.memory_space<vmem_shared>>) dst(%arg11 : memref<16x640xi32, #tpu.memory_space<vmem>>)
      tpu.yield
    }) : () -> ()
    %parallel_loop3A_71 = arith.constant 0 : i32
    %parallel_loop3A_72 = arith.constant 640 : i32
    %parallel_loop3A_73 = arith.constant 16 : i32
    scf.for %parallel_loop3A_90 = %parallel_loop3A_71 to %parallel_loop3A_72 step %parallel_loop3A_73  : i32 {
      %parallel_loop3A_91 = tpu.assume_multiple %parallel_loop3A_90, 8 : i32
      %parallel_loop3A_92 = arith.constant 0 : i32
      %parallel_loop3A_93 = arith.index_cast %parallel_loop3A_92 : i32 to index
      %parallel_loop3A_94 = arith.index_cast %parallel_loop3A_91 : i32 to index
      %parallel_loop3A_95 = tpu.vector_load %arg11[%parallel_loop3A_93, %parallel_loop3A_94] {strides = array<i32>} : memref<16x640xi32, #tpu.memory_space<vmem>>, vector<16xi32>,
      %parallel_loop3A_96 = arith.constant 1 : i32
      %parallel_loop3A_97 = arith.index_cast %parallel_loop3A_96 : i32 to index
      %parallel_loop3A_98 = arith.index_cast %parallel_loop3A_91 : i32 to index
      %parallel_loop3A_99 = tpu.vector_load %arg11[%parallel_loop3A_97, %parallel_loop3A_98] {strides = array<i32>} : memref<16x640xi32, #tpu.memory_space<vmem>>, vector<16xi32>,
      %parallel_loop3A_100 = arith.maxsi %parallel_loop3A_95, %parallel_loop3A_99 : vector<16xi32>
      %parallel_loop3A_101 = arith.constant 2 : i32
      %parallel_loop3A_102 = arith.index_cast %parallel_loop3A_101 : i32 to index
      %parallel_loop3A_103 = arith.index_cast %parallel_loop3A_91 : i32 to index
      %parallel_loop3A_104 = tpu.vector_load %arg11[%parallel_loop3A_102, %parallel_loop3A_103] {strides = array<i32>} : memref<16x640xi32, #tpu.memory_space<vmem>>, vector<16xi32>,
      %parallel_loop3A_105 = arith.maxsi %parallel_loop3A_100, %parallel_loop3A_104 : vector<16xi32>
      %parallel_loop3A_106 = arith.constant 3 : i32
      %parallel_loop3A_107 = arith.index_cast %parallel_loop3A_106 : i32 to index
      %parallel_loop3A_108 = arith.index_cast %parallel_loop3A_91 : i32 to index
      %parallel_loop3A_109 = tpu.vector_load %arg11[%parallel_loop3A_107, %parallel_loop3A_108] {strides = array<i32>} : memref<16x640xi32, #tpu.memory_space<vmem>>, vector<16xi32>,
      %parallel_loop3A_110 = arith.maxsi %parallel_loop3A_105, %parallel_loop3A_109 : vector<16xi32>
      %parallel_loop3A_111 = arith.constant 4 : i32
      %parallel_loop3A_112 = arith.index_cast %parallel_loop3A_111 : i32 to index
      %parallel_loop3A_113 = arith.index_cast %parallel_loop3A_91 : i32 to index
      %parallel_loop3A_114 = tpu.vector_load %arg11[%parallel_loop3A_112, %parallel_loop3A_113] {strides = array<i32>} : memref<16x640xi32, #tpu.memory_space<vmem>>, vector<16xi32>,
      %parallel_loop3A_115 = arith.maxsi %parallel_loop3A_110, %parallel_loop3A_114 : vector<16xi32>
      %parallel_loop3A_116 = arith.constant 5 : i32
      %parallel_loop3A_117 = arith.index_cast %parallel_loop3A_116 : i32 to index
      %parallel_loop3A_118 = arith.index_cast %parallel_loop3A_91 : i32 to index
      %parallel_loop3A_119 = tpu.vector_load %arg11[%parallel_loop3A_117, %parallel_loop3A_118] {strides = array<i32>} : memref<16x640xi32, #tpu.memory_space<vmem>>, vector<16xi32>,
      %parallel_loop3A_120 = arith.maxsi %parallel_loop3A_115, %parallel_loop3A_119 : vector<16xi32>
      %parallel_loop3A_121 = arith.constant 6 : i32
      %parallel_loop3A_122 = arith.index_cast %parallel_loop3A_121 : i32 to index
      %parallel_loop3A_123 = arith.index_cast %parallel_loop3A_91 : i32 to index
      %parallel_loop3A_124 = tpu.vector_load %arg11[%parallel_loop3A_122, %parallel_loop3A_123] {strides = array<i32>} : memref<16x640xi32, #tpu.memory_space<vmem>>, vector<16xi32>,
      %parallel_loop3A_125 = arith.maxsi %parallel_loop3A_120, %parallel_loop3A_124 : vector<16xi32>
      %parallel_loop3A_126 = arith.constant 7 : i32
      %parallel_loop3A_127 = arith.index_cast %parallel_loop3A_126 : i32 to index
      %parallel_loop3A_128 = arith.index_cast %parallel_loop3A_91 : i32 to index
      %parallel_loop3A_129 = tpu.vector_load %arg11[%parallel_loop3A_127, %parallel_loop3A_128] {strides = array<i32>} : memref<16x640xi32, #tpu.memory_space<vmem>>, vector<16xi32>,
      %parallel_loop3A_130 = arith.maxsi %parallel_loop3A_125, %parallel_loop3A_129 : vector<16xi32>
      %parallel_loop3A_131 = arith.constant 8 : i32
      %parallel_loop3A_132 = arith.index_cast %parallel_loop3A_131 : i32 to index
      %parallel_loop3A_133 = arith.index_cast %parallel_loop3A_91 : i32 to index
      %parallel_loop3A_134 = tpu.vector_load %arg11[%parallel_loop3A_132, %parallel_loop3A_133] {strides = array<i32>} : memref<16x640xi32, #tpu.memory_space<vmem>>, vector<16xi32>,
      %parallel_loop3A_135 = arith.maxsi %parallel_loop3A_130, %parallel_loop3A_134 : vector<16xi32>
      %parallel_loop3A_136 = arith.constant 9 : i32
      %parallel_loop3A_137 = arith.index_cast %parallel_loop3A_136 : i32 to index
      %parallel_loop3A_138 = arith.index_cast %parallel_loop3A_91 : i32 to index
      %parallel_loop3A_139 = tpu.vector_load %arg11[%parallel_loop3A_137, %parallel_loop3A_138] {strides = array<i32>} : memref<16x640xi32, #tpu.memory_space<vmem>>, vector<16xi32>,
      %parallel_loop3A_140 = arith.maxsi %parallel_loop3A_135, %parallel_loop3A_139 : vector<16xi32>
      %parallel_loop3A_141 = arith.constant 10 : i32
      %parallel_loop3A_142 = arith.index_cast %parallel_loop3A_141 : i32 to index
      %parallel_loop3A_143 = arith.index_cast %parallel_loop3A_91 : i32 to index
      %parallel_loop3A_144 = tpu.vector_load %arg11[%parallel_loop3A_142, %parallel_loop3A_143] {strides = array<i32>} : memref<16x640xi32, #tpu.memory_space<vmem>>, vector<16xi32>,
      %parallel_loop3A_145 = arith.maxsi %parallel_loop3A_140, %parallel_loop3A_144 : vector<16xi32>
      %parallel_loop3A_146 = arith.constant 11 : i32
      %parallel_loop3A_147 = arith.index_cast %parallel_loop3A_146 : i32 to index
      %parallel_loop3A_148 = arith.index_cast %parallel_loop3A_91 : i32 to index
      %parallel_loop3A_149 = tpu.vector_load %arg11[%parallel_loop3A_147, %parallel_loop3A_148] {strides = array<i32>} : memref<16x640xi32, #tpu.memory_space<vmem>>, vector<16xi32>,
      %parallel_loop3A_150 = arith.maxsi %parallel_loop3A_145, %parallel_loop3A_149 : vector<16xi32>
      %parallel_loop3A_151 = arith.constant 12 : i32
      %parallel_loop3A_152 = arith.index_cast %parallel_loop3A_151 : i32 to index
      %parallel_loop3A_153 = arith.index_cast %parallel_loop3A_91 : i32 to index
      %parallel_loop3A_154 = tpu.vector_load %arg11[%parallel_loop3A_152, %parallel_loop3A_153] {strides = array<i32>} : memref<16x640xi32, #tpu.memory_space<vmem>>, vector<16xi32>,
      %parallel_loop3A_155 = arith.maxsi %parallel_loop3A_150, %parallel_loop3A_154 : vector<16xi32>
      %parallel_loop3A_156 = arith.constant 13 : i32
      %parallel_loop3A_157 = arith.index_cast %parallel_loop3A_156 : i32 to index
      %parallel_loop3A_158 = arith.index_cast %parallel_loop3A_91 : i32 to index
      %parallel_loop3A_159 = tpu.vector_load %arg11[%parallel_loop3A_157, %parallel_loop3A_158] {strides = array<i32>} : memref<16x640xi32, #tpu.memory_space<vmem>>, vector<16xi32>,
      %parallel_loop3A_160 = arith.maxsi %parallel_loop3A_155, %parallel_loop3A_159 : vector<16xi32>
      %parallel_loop3A_161 = arith.constant 14 : i32
      %parallel_loop3A_162 = arith.index_cast %parallel_loop3A_161 : i32 to index
      %parallel_loop3A_163 = arith.index_cast %parallel_loop3A_91 : i32 to index
      %parallel_loop3A_164 = tpu.vector_load %arg11[%parallel_loop3A_162, %parallel_loop3A_163] {strides = array<i32>} : memref<16x640xi32, #tpu.memory_space<vmem>>, vector<16xi32>,
      %parallel_loop3A_165 = arith.maxsi %parallel_loop3A_160, %parallel_loop3A_164 : vector<16xi32>
      %parallel_loop3A_166 = arith.constant 15 : i32
      %parallel_loop3A_167 = arith.index_cast %parallel_loop3A_166 : i32 to index
      %parallel_loop3A_168 = arith.index_cast %parallel_loop3A_91 : i32 to index
      %parallel_loop3A_169 = tpu.vector_load %arg11[%parallel_loop3A_167, %parallel_loop3A_168] {strides = array<i32>} : memref<16x640xi32, #tpu.memory_space<vmem>>, vector<16xi32>,
      %parallel_loop3A_170 = arith.maxsi %parallel_loop3A_165, %parallel_loop3A_169 : vector<16xi32>
      %parallel_loop3A_171 = arith.index_cast %parallel_loop3A_91 : i32 to index
      %parallel_loop3A_172 = tpu.vector_load %arg12[%parallel_loop3A_171] {strides = array<i32>} : memref<640xi32, #tpu.memory_space<vmem>>, vector<16xi32>,
      tpu.vector_store %arg12[%parallel_loop3A_171], %parallel_loop3A_170 {strides = array<i32>} : memref<640xi32, #tpu.memory_space<vmem>>, vector<16xi32>,
    } {sc.loop_unroll_factor = 4 : i64, sc.parallel_access}
    "tpu.region"() ({
      %run_scoped3A = tpu.sem_alloc : memref<!tpu.dma_semaphore, #tpu.memory_space<semaphore_mem>>
      %dma_start3A_90 = tpu.memref_slice %arg17[%multiple_of3A_3] : memref<10240xi32, #tpu.memory_space<vmem_shared>> -> memref<640xi32, #tpu.memory_space<vmem_shared>>
      %dma_start3A_91 = tpu.memref_slice %arg17[%multiple_of3A_3] : memref<10240xi32, #tpu.memory_space<vmem_shared>> -> memref<640xi32, #tpu.memory_space<vmem_shared>>
      tpu.enqueue_dma source(%arg12 : memref<640xi32, #tpu.memory_space<vmem>>) target(%dma_start3A_91 : memref<640xi32, #tpu.memory_space<vmem_shared>>) target_semaphore(%run_scoped3A : memref<!tpu.dma_semaphore, #tpu.memory_space<semaphore_mem>>)
      %dma_wait3A_92 = tpu.memref_slice %arg17[%multiple_of3A_3] : memref<10240xi32, #tpu.memory_space<vmem_shared>> -> memref<640xi32, #tpu.memory_space<vmem_shared>>
      %dma_wait3A_93 = tpu.memref_slice %arg17[%multiple_of3A_3] : memref<10240xi32, #tpu.memory_space<vmem_shared>> -> memref<640xi32, #tpu.memory_space<vmem_shared>>
      tpu.wait_dma2 semaphore(%run_scoped3A : memref<!tpu.dma_semaphore, #tpu.memory_space<semaphore_mem>>) src(%arg12 : memref<640xi32, #tpu.memory_space<vmem>>) dst(%dma_wait3A_93 : memref<640xi32, #tpu.memory_space<vmem_shared>>)
      tpu.yield
    }) : () -> ()
    %barrier3A_74 = arith.constant 0 : index
    tpu.barrier barrier_id(%barrier3A_74)
    "tpu.region"() ({
      %run_scoped3A = tpu.sem_alloc : memref<!tpu.dma_semaphore, #tpu.memory_space<semaphore_mem>>
      tpu.enqueue_dma source(%arg17 : memref<10240xi32, #tpu.memory_space<vmem_shared>>) target(%arg8 : memref<10240xi32, #tpu.memory_space<vmem>>) target_semaphore(%run_scoped3A : memref<!tpu.dma_semaphore, #tpu.memory_space<semaphore_mem>>)
      tpu.wait_dma2 semaphore(%run_scoped3A : memref<!tpu.dma_semaphore, #tpu.memory_space<semaphore_mem>>) src(%arg17 : memref<10240xi32, #tpu.memory_space<vmem_shared>>) dst(%arg8 : memref<10240xi32, #tpu.memory_space<vmem>>)
      tpu.yield
    }) : () -> ()
    %parallel_loop3A_75 = arith.constant 0 : i32
    %parallel_loop3A_76 = arith.constant 20000 : i32
    %parallel_loop3A_77 = arith.constant 16 : i32
    scf.for %parallel_loop3A_90 = %parallel_loop3A_75 to %parallel_loop3A_76 step %parallel_loop3A_77  : i32 {
      %parallel_loop3A_91 = tpu.assume_multiple %parallel_loop3A_90, 8 : i32
      %parallel_loop3A_92 = arith.index_cast %parallel_loop3A_91 : i32 to index
      %parallel_loop3A_93 = tpu.vector_load %arg5[%parallel_loop3A_92] {strides = array<i32>} : memref<20000xi32, #tpu.memory_space<vmem>>, vector<16xi32>,
      %parallel_loop3A_94 = arith.index_cast %parallel_loop3A_91 : i32 to index
      %parallel_loop3A_95 = tpu.vector_load %arg6[%parallel_loop3A_94] {strides = array<i32>} : memref<20000xi32, #tpu.memory_space<vmem>>, vector<16xi32>,
      %parallel_loop3A_96 = tpu.vector_load_idx %arg8[%parallel_loop3A_93] : memref<10240xi32, #tpu.memory_space<vmem>>[vector<16xi32>], vector<16xi32>,
      %parallel_loop3A_97 = arith.constant 0 : i32
      %parallel_loop3A_98 = vector.broadcast %parallel_loop3A_97 : i32 to vector<16xi32>
      %parallel_loop3A_99 = arith.cmpi sgt, %parallel_loop3A_96, %parallel_loop3A_98 : vector<16xi32>
      tpu.vector_store_idx %arg9[%parallel_loop3A_95], %broadcast_in_dim3A_36 masked %parallel_loop3A_99 : memref<10240xi32, #tpu.memory_space<vmem>>[vector<16xi32>], vector<16xi32>, vector<16xi1>
    } {sc.loop_unroll_factor = 8 : i64, sc.parallel_access}
    "tpu.region"() ({
      %run_scoped3A = tpu.sem_alloc : memref<!tpu.dma_semaphore, #tpu.memory_space<semaphore_mem>>
      %dma_start3A_90 = arith.constant 0 : i32
      %dma_start3A_91 = tpu.memref_slice %arg16[%arg1, %dma_start3A_90] : memref<16x10240xi32, #tpu.memory_space<vmem_shared>> -> memref<1x10240xi32, #tpu.memory_space<vmem_shared>>
      %dma_start3A_92 = tpu.memref_squeeze %dma_start3A_91 : memref<1x10240xi32, #tpu.memory_space<vmem_shared>> -> memref<10240xi32, #tpu.memory_space<vmem_shared>>
      %dma_start3A_93 = arith.constant 0 : i32
      %dma_start3A_94 = tpu.memref_slice %arg16[%arg1, %dma_start3A_93] : memref<16x10240xi32, #tpu.memory_space<vmem_shared>> -> memref<1x10240xi32, #tpu.memory_space<vmem_shared>>
      %dma_start3A_95 = tpu.memref_squeeze %dma_start3A_94 : memref<1x10240xi32, #tpu.memory_space<vmem_shared>> -> memref<10240xi32, #tpu.memory_space<vmem_shared>>
      tpu.enqueue_dma source(%arg9 : memref<10240xi32, #tpu.memory_space<vmem>>) target(%dma_start3A_95 : memref<10240xi32, #tpu.memory_space<vmem_shared>>) target_semaphore(%run_scoped3A : memref<!tpu.dma_semaphore, #tpu.memory_space<semaphore_mem>>)
      %dma_wait3A_96 = arith.constant 0 : i32
      %dma_wait3A_97 = tpu.memref_slice %arg16[%arg1, %dma_wait3A_96] : memref<16x10240xi32, #tpu.memory_space<vmem_shared>> -> memref<1x10240xi32, #tpu.memory_space<vmem_shared>>
      %dma_wait3A_98 = tpu.memref_squeeze %dma_wait3A_97 : memref<1x10240xi32, #tpu.memory_space<vmem_shared>> -> memref<10240xi32, #tpu.memory_space<vmem_shared>>
      %dma_wait3A_99 = arith.constant 0 : i32
      %dma_wait3A_100 = tpu.memref_slice %arg16[%arg1, %dma_wait3A_99] : memref<16x10240xi32, #tpu.memory_space<vmem_shared>> -> memref<1x10240xi32, #tpu.memory_space<vmem_shared>>
      %dma_wait3A_101 = tpu.memref_squeeze %dma_wait3A_100 : memref<1x10240xi32, #tpu.memory_space<vmem_shared>> -> memref<10240xi32, #tpu.memory_space<vmem_shared>>
      tpu.wait_dma2 semaphore(%run_scoped3A : memref<!tpu.dma_semaphore, #tpu.memory_space<semaphore_mem>>) src(%arg9 : memref<10240xi32, #tpu.memory_space<vmem>>) dst(%dma_wait3A_101 : memref<10240xi32, #tpu.memory_space<vmem_shared>>)
      tpu.yield
    }) : () -> ()
    %barrier3A_78 = arith.constant 0 : index
    tpu.barrier barrier_id(%barrier3A_78)
    "tpu.region"() ({
      %run_scoped3A = tpu.sem_alloc : memref<!tpu.dma_semaphore, #tpu.memory_space<semaphore_mem>>
      %dma_start3A_90 = arith.constant 0 : i32
      %dma_start3A_91 = tpu.memref_slice %arg16[%dma_start3A_90, %multiple_of3A_3] : memref<16x10240xi32, #tpu.memory_space<vmem_shared>> -> memref<16x640xi32, #tpu.memory_space<vmem_shared>>
      %dma_start3A_92 = arith.constant 0 : i32
      %dma_start3A_93 = tpu.memref_slice %arg16[%dma_start3A_92, %multiple_of3A_3] : memref<16x10240xi32, #tpu.memory_space<vmem_shared>> -> memref<16x640xi32, #tpu.memory_space<vmem_shared>>
      tpu.enqueue_dma source(%dma_start3A_93 : memref<16x640xi32, #tpu.memory_space<vmem_shared>>) target(%arg11 : memref<16x640xi32, #tpu.memory_space<vmem>>) target_semaphore(%run_scoped3A : memref<!tpu.dma_semaphore, #tpu.memory_space<semaphore_mem>>)
      %dma_wait3A_94 = arith.constant 0 : i32
      %dma_wait3A_95 = tpu.memref_slice %arg16[%dma_wait3A_94, %multiple_of3A_3] : memref<16x10240xi32, #tpu.memory_space<vmem_shared>> -> memref<16x640xi32, #tpu.memory_space<vmem_shared>>
      %dma_wait3A_96 = arith.constant 0 : i32
      %dma_wait3A_97 = tpu.memref_slice %arg16[%dma_wait3A_96, %multiple_of3A_3] : memref<16x10240xi32, #tpu.memory_space<vmem_shared>> -> memref<16x640xi32, #tpu.memory_space<vmem_shared>>
      tpu.wait_dma2 semaphore(%run_scoped3A : memref<!tpu.dma_semaphore, #tpu.memory_space<semaphore_mem>>) src(%dma_wait3A_97 : memref<16x640xi32, #tpu.memory_space<vmem_shared>>) dst(%arg11 : memref<16x640xi32, #tpu.memory_space<vmem>>)
      tpu.yield
    }) : () -> ()
    %parallel_loop3A_79 = arith.constant 0 : i32
    %parallel_loop3A_80 = arith.constant 640 : i32
    %parallel_loop3A_81 = arith.constant 16 : i32
    scf.for %parallel_loop3A_90 = %parallel_loop3A_79 to %parallel_loop3A_80 step %parallel_loop3A_81  : i32 {
      %parallel_loop3A_91 = tpu.assume_multiple %parallel_loop3A_90, 8 : i32
      %parallel_loop3A_92 = arith.constant 0 : i32
      %parallel_loop3A_93 = arith.index_cast %parallel_loop3A_92 : i32 to index
      %parallel_loop3A_94 = arith.index_cast %parallel_loop3A_91 : i32 to index
      %parallel_loop3A_95 = tpu.vector_load %arg11[%parallel_loop3A_93, %parallel_loop3A_94] {strides = array<i32>} : memref<16x640xi32, #tpu.memory_space<vmem>>, vector<16xi32>,
      %parallel_loop3A_96 = arith.constant 1 : i32
      %parallel_loop3A_97 = arith.index_cast %parallel_loop3A_96 : i32 to index
      %parallel_loop3A_98 = arith.index_cast %parallel_loop3A_91 : i32 to index
      %parallel_loop3A_99 = tpu.vector_load %arg11[%parallel_loop3A_97, %parallel_loop3A_98] {strides = array<i32>} : memref<16x640xi32, #tpu.memory_space<vmem>>, vector<16xi32>,
      %parallel_loop3A_100 = arith.maxsi %parallel_loop3A_95, %parallel_loop3A_99 : vector<16xi32>
      %parallel_loop3A_101 = arith.constant 2 : i32
      %parallel_loop3A_102 = arith.index_cast %parallel_loop3A_101 : i32 to index
      %parallel_loop3A_103 = arith.index_cast %parallel_loop3A_91 : i32 to index
      %parallel_loop3A_104 = tpu.vector_load %arg11[%parallel_loop3A_102, %parallel_loop3A_103] {strides = array<i32>} : memref<16x640xi32, #tpu.memory_space<vmem>>, vector<16xi32>,
      %parallel_loop3A_105 = arith.maxsi %parallel_loop3A_100, %parallel_loop3A_104 : vector<16xi32>
      %parallel_loop3A_106 = arith.constant 3 : i32
      %parallel_loop3A_107 = arith.index_cast %parallel_loop3A_106 : i32 to index
      %parallel_loop3A_108 = arith.index_cast %parallel_loop3A_91 : i32 to index
      %parallel_loop3A_109 = tpu.vector_load %arg11[%parallel_loop3A_107, %parallel_loop3A_108] {strides = array<i32>} : memref<16x640xi32, #tpu.memory_space<vmem>>, vector<16xi32>,
      %parallel_loop3A_110 = arith.maxsi %parallel_loop3A_105, %parallel_loop3A_109 : vector<16xi32>
      %parallel_loop3A_111 = arith.constant 4 : i32
      %parallel_loop3A_112 = arith.index_cast %parallel_loop3A_111 : i32 to index
      %parallel_loop3A_113 = arith.index_cast %parallel_loop3A_91 : i32 to index
      %parallel_loop3A_114 = tpu.vector_load %arg11[%parallel_loop3A_112, %parallel_loop3A_113] {strides = array<i32>} : memref<16x640xi32, #tpu.memory_space<vmem>>, vector<16xi32>,
      %parallel_loop3A_115 = arith.maxsi %parallel_loop3A_110, %parallel_loop3A_114 : vector<16xi32>
      %parallel_loop3A_116 = arith.constant 5 : i32
      %parallel_loop3A_117 = arith.index_cast %parallel_loop3A_116 : i32 to index
      %parallel_loop3A_118 = arith.index_cast %parallel_loop3A_91 : i32 to index
      %parallel_loop3A_119 = tpu.vector_load %arg11[%parallel_loop3A_117, %parallel_loop3A_118] {strides = array<i32>} : memref<16x640xi32, #tpu.memory_space<vmem>>, vector<16xi32>,
      %parallel_loop3A_120 = arith.maxsi %parallel_loop3A_115, %parallel_loop3A_119 : vector<16xi32>
      %parallel_loop3A_121 = arith.constant 6 : i32
      %parallel_loop3A_122 = arith.index_cast %parallel_loop3A_121 : i32 to index
      %parallel_loop3A_123 = arith.index_cast %parallel_loop3A_91 : i32 to index
      %parallel_loop3A_124 = tpu.vector_load %arg11[%parallel_loop3A_122, %parallel_loop3A_123] {strides = array<i32>} : memref<16x640xi32, #tpu.memory_space<vmem>>, vector<16xi32>,
      %parallel_loop3A_125 = arith.maxsi %parallel_loop3A_120, %parallel_loop3A_124 : vector<16xi32>
      %parallel_loop3A_126 = arith.constant 7 : i32
      %parallel_loop3A_127 = arith.index_cast %parallel_loop3A_126 : i32 to index
      %parallel_loop3A_128 = arith.index_cast %parallel_loop3A_91 : i32 to index
      %parallel_loop3A_129 = tpu.vector_load %arg11[%parallel_loop3A_127, %parallel_loop3A_128] {strides = array<i32>} : memref<16x640xi32, #tpu.memory_space<vmem>>, vector<16xi32>,
      %parallel_loop3A_130 = arith.maxsi %parallel_loop3A_125, %parallel_loop3A_129 : vector<16xi32>
      %parallel_loop3A_131 = arith.constant 8 : i32
      %parallel_loop3A_132 = arith.index_cast %parallel_loop3A_131 : i32 to index
      %parallel_loop3A_133 = arith.index_cast %parallel_loop3A_91 : i32 to index
      %parallel_loop3A_134 = tpu.vector_load %arg11[%parallel_loop3A_132, %parallel_loop3A_133] {strides = array<i32>} : memref<16x640xi32, #tpu.memory_space<vmem>>, vector<16xi32>,
      %parallel_loop3A_135 = arith.maxsi %parallel_loop3A_130, %parallel_loop3A_134 : vector<16xi32>
      %parallel_loop3A_136 = arith.constant 9 : i32
      %parallel_loop3A_137 = arith.index_cast %parallel_loop3A_136 : i32 to index
      %parallel_loop3A_138 = arith.index_cast %parallel_loop3A_91 : i32 to index
      %parallel_loop3A_139 = tpu.vector_load %arg11[%parallel_loop3A_137, %parallel_loop3A_138] {strides = array<i32>} : memref<16x640xi32, #tpu.memory_space<vmem>>, vector<16xi32>,
      %parallel_loop3A_140 = arith.maxsi %parallel_loop3A_135, %parallel_loop3A_139 : vector<16xi32>
      %parallel_loop3A_141 = arith.constant 10 : i32
      %parallel_loop3A_142 = arith.index_cast %parallel_loop3A_141 : i32 to index
      %parallel_loop3A_143 = arith.index_cast %parallel_loop3A_91 : i32 to index
      %parallel_loop3A_144 = tpu.vector_load %arg11[%parallel_loop3A_142, %parallel_loop3A_143] {strides = array<i32>} : memref<16x640xi32, #tpu.memory_space<vmem>>, vector<16xi32>,
      %parallel_loop3A_145 = arith.maxsi %parallel_loop3A_140, %parallel_loop3A_144 : vector<16xi32>
      %parallel_loop3A_146 = arith.constant 11 : i32
      %parallel_loop3A_147 = arith.index_cast %parallel_loop3A_146 : i32 to index
      %parallel_loop3A_148 = arith.index_cast %parallel_loop3A_91 : i32 to index
      %parallel_loop3A_149 = tpu.vector_load %arg11[%parallel_loop3A_147, %parallel_loop3A_148] {strides = array<i32>} : memref<16x640xi32, #tpu.memory_space<vmem>>, vector<16xi32>,
      %parallel_loop3A_150 = arith.maxsi %parallel_loop3A_145, %parallel_loop3A_149 : vector<16xi32>
      %parallel_loop3A_151 = arith.constant 12 : i32
      %parallel_loop3A_152 = arith.index_cast %parallel_loop3A_151 : i32 to index
      %parallel_loop3A_153 = arith.index_cast %parallel_loop3A_91 : i32 to index
      %parallel_loop3A_154 = tpu.vector_load %arg11[%parallel_loop3A_152, %parallel_loop3A_153] {strides = array<i32>} : memref<16x640xi32, #tpu.memory_space<vmem>>, vector<16xi32>,
      %parallel_loop3A_155 = arith.maxsi %parallel_loop3A_150, %parallel_loop3A_154 : vector<16xi32>
      %parallel_loop3A_156 = arith.constant 13 : i32
      %parallel_loop3A_157 = arith.index_cast %parallel_loop3A_156 : i32 to index
      %parallel_loop3A_158 = arith.index_cast %parallel_loop3A_91 : i32 to index
      %parallel_loop3A_159 = tpu.vector_load %arg11[%parallel_loop3A_157, %parallel_loop3A_158] {strides = array<i32>} : memref<16x640xi32, #tpu.memory_space<vmem>>, vector<16xi32>,
      %parallel_loop3A_160 = arith.maxsi %parallel_loop3A_155, %parallel_loop3A_159 : vector<16xi32>
      %parallel_loop3A_161 = arith.constant 14 : i32
      %parallel_loop3A_162 = arith.index_cast %parallel_loop3A_161 : i32 to index
      %parallel_loop3A_163 = arith.index_cast %parallel_loop3A_91 : i32 to index
      %parallel_loop3A_164 = tpu.vector_load %arg11[%parallel_loop3A_162, %parallel_loop3A_163] {strides = array<i32>} : memref<16x640xi32, #tpu.memory_space<vmem>>, vector<16xi32>,
      %parallel_loop3A_165 = arith.maxsi %parallel_loop3A_160, %parallel_loop3A_164 : vector<16xi32>
      %parallel_loop3A_166 = arith.constant 15 : i32
      %parallel_loop3A_167 = arith.index_cast %parallel_loop3A_166 : i32 to index
      %parallel_loop3A_168 = arith.index_cast %parallel_loop3A_91 : i32 to index
      %parallel_loop3A_169 = tpu.vector_load %arg11[%parallel_loop3A_167, %parallel_loop3A_168] {strides = array<i32>} : memref<16x640xi32, #tpu.memory_space<vmem>>, vector<16xi32>,
      %parallel_loop3A_170 = arith.maxsi %parallel_loop3A_165, %parallel_loop3A_169 : vector<16xi32>
      %parallel_loop3A_171 = arith.index_cast %parallel_loop3A_91 : i32 to index
      %parallel_loop3A_172 = tpu.vector_load %arg13[%parallel_loop3A_171] {strides = array<i32>} : memref<640xi32, #tpu.memory_space<vmem>>, vector<16xi32>,
      tpu.vector_store %arg13[%parallel_loop3A_171], %parallel_loop3A_170 {strides = array<i32>} : memref<640xi32, #tpu.memory_space<vmem>>, vector<16xi32>,
    } {sc.loop_unroll_factor = 4 : i64, sc.parallel_access}
    %parallel_loop3A_82 = arith.constant 0 : i32
    %parallel_loop3A_83 = arith.constant 640 : i32
    %parallel_loop3A_84 = arith.constant 16 : i32
    scf.for %parallel_loop3A_90 = %parallel_loop3A_82 to %parallel_loop3A_83 step %parallel_loop3A_84  : i32 {
      %parallel_loop3A_91 = tpu.assume_multiple %parallel_loop3A_90, 8 : i32
      %parallel_loop3A_92 = arith.index_cast %parallel_loop3A_91 : i32 to index
      %parallel_loop3A_93 = tpu.vector_load %arg12[%parallel_loop3A_92] {strides = array<i32>} : memref<640xi32, #tpu.memory_space<vmem>>, vector<16xi32>,
      %parallel_loop3A_94 = arith.index_cast %parallel_loop3A_91 : i32 to index
      %parallel_loop3A_95 = tpu.vector_load %arg13[%parallel_loop3A_94] {strides = array<i32>} : memref<640xi32, #tpu.memory_space<vmem>>, vector<16xi32>,
      %parallel_loop3A_96 = arith.maxsi %parallel_loop3A_93, %parallel_loop3A_95 : vector<16xi32>
      %parallel_loop3A_97 = arith.sitofp %parallel_loop3A_93 : vector<16xi32> to vector<16xf32>
      %parallel_loop3A_98 = arith.index_cast %parallel_loop3A_91 : i32 to index
      %parallel_loop3A_99 = tpu.vector_load %arg14[%parallel_loop3A_98] {strides = array<i32>} : memref<640xf32, #tpu.memory_space<vmem>>, vector<16xf32>,
      tpu.vector_store %arg14[%parallel_loop3A_98], %parallel_loop3A_97 {strides = array<i32>} : memref<640xf32, #tpu.memory_space<vmem>>, vector<16xf32>,
      %parallel_loop3A_100 = arith.sitofp %parallel_loop3A_96 : vector<16xi32> to vector<16xf32>
      %parallel_loop3A_101 = arith.index_cast %parallel_loop3A_91 : i32 to index
      %parallel_loop3A_102 = tpu.vector_load %arg15[%parallel_loop3A_101] {strides = array<i32>} : memref<640xf32, #tpu.memory_space<vmem>>, vector<16xf32>,
      tpu.vector_store %arg15[%parallel_loop3A_101], %parallel_loop3A_100 {strides = array<i32>} : memref<640xf32, #tpu.memory_space<vmem>>, vector<16xf32>,
    } {sc.loop_unroll_factor = 4 : i64, sc.parallel_access}
    "tpu.region"() ({
      %run_scoped3A = tpu.sem_alloc : memref<!tpu.dma_semaphore, #tpu.memory_space<semaphore_mem>>
      %dma_start3A_90 = tpu.memref_slice %arg4[%multiple_of3A_3] : memref<20480xf32, #tpu.memory_space<hbm>> -> memref<640xf32, #tpu.memory_space<hbm>>
      %dma_start3A_91 = tpu.memref_slice %arg4[%multiple_of3A_3] : memref<20480xf32, #tpu.memory_space<hbm>> -> memref<640xf32, #tpu.memory_space<hbm>>
      tpu.enqueue_dma source(%arg14 : memref<640xf32, #tpu.memory_space<vmem>>) target(%dma_start3A_91 : memref<640xf32, #tpu.memory_space<hbm>>) target_semaphore(%run_scoped3A : memref<!tpu.dma_semaphore, #tpu.memory_space<semaphore_mem>>)
      %dma_wait3A_92 = tpu.memref_slice %arg4[%multiple_of3A_3] : memref<20480xf32, #tpu.memory_space<hbm>> -> memref<640xf32, #tpu.memory_space<hbm>>
      %dma_wait3A_93 = tpu.memref_slice %arg4[%multiple_of3A_3] : memref<20480xf32, #tpu.memory_space<hbm>> -> memref<640xf32, #tpu.memory_space<hbm>>
      tpu.wait_dma2 semaphore(%run_scoped3A : memref<!tpu.dma_semaphore, #tpu.memory_space<semaphore_mem>>) src(%arg14 : memref<640xf32, #tpu.memory_space<vmem>>) dst(%dma_wait3A_93 : memref<640xf32, #tpu.memory_space<hbm>>)
      tpu.yield
    }) : () -> ()
    %mul3A_85 = arith.constant 640 : i32
    %mul3A_86 = arith.muli %arg1, %mul3A_85 : i32
    %add3A_87 = arith.constant 10240 : i32
    %add3A_88 = arith.addi %add3A_87, %mul3A_86 : i32
    %multiple_of3A_89 = tpu.assume_multiple %add3A_88, 8 : i32
    "tpu.region"() ({
      %run_scoped3A = tpu.sem_alloc : memref<!tpu.dma_semaphore, #tpu.memory_space<semaphore_mem>>
      %dma_start3A_90 = tpu.memref_slice %arg4[%multiple_of3A_89] : memref<20480xf32, #tpu.memory_space<hbm>> -> memref<640xf32, #tpu.memory_space<hbm>>
      %dma_start3A_91 = tpu.memref_slice %arg4[%multiple_of3A_89] : memref<20480xf32, #tpu.memory_space<hbm>> -> memref<640xf32, #tpu.memory_space<hbm>>
      tpu.enqueue_dma source(%arg15 : memref<640xf32, #tpu.memory_space<vmem>>) target(%dma_start3A_91 : memref<640xf32, #tpu.memory_space<hbm>>) target_semaphore(%run_scoped3A : memref<!tpu.dma_semaphore, #tpu.memory_space<semaphore_mem>>)
      %dma_wait3A_92 = tpu.memref_slice %arg4[%multiple_of3A_89] : memref<20480xf32, #tpu.memory_space<hbm>> -> memref<640xf32, #tpu.memory_space<hbm>>
      %dma_wait3A_93 = tpu.memref_slice %arg4[%multiple_of3A_89] : memref<20480xf32, #tpu.memory_space<hbm>> -> memref<640xf32, #tpu.memory_space<hbm>>
      tpu.wait_dma2 semaphore(%run_scoped3A : memref<!tpu.dma_semaphore, #tpu.memory_space<semaphore_mem>>) src(%arg15 : memref<640xf32, #tpu.memory_space<vmem>>) dst(%dma_wait3A_93 : memref<640xf32, #tpu.memory_space<hbm>>)
      tpu.yield
    }) : () -> ()
    return
  }
}

module attributes {stable_mosaic.version = 14 : i64} {
  func.func @_tc_body(%arg0: memref<2x10240xf32, #tpu.memory_space<vmem>>, %arg1: memref<10000x128xf32, #tpu.memory_space<vmem>>, %arg2: memref<128x128xf32, #tpu.memory_space<vmem>>, %arg3: memref<1x128xf32, #tpu.memory_space<vmem>>, %arg4: memref<128x128xf32, #tpu.memory_space<vmem>>, %arg5: memref<1x128xf32, #tpu.memory_space<vmem>>, %arg6: memref<128x256xf32, #tpu.memory_space<vmem>>, %arg7: memref<1x128xf32, #tpu.memory_space<vmem>>, %arg8: memref<1024x128xf32, #tpu.memory_space<vmem>>) attributes {dimension_semantics = [], scalar_prefetch = 0 : i64, scratch_operands = 0 : i64, tpu.core_type = #tpu.core_type<tc>} {
    %get3A = arith.constant 0 : index
    %get3A_0 = arith.constant 0 : index
    %get3A_1 = vector.load %arg0[%get3A, %get3A_0] : memref<2x10240xf32, #tpu.memory_space<vmem>>, vector<2x10240xf32>
    %reduce_sum3A = arith.constant dense<0.000000e+00> : vector<2xf32>
    %reduce_sum3A_2 = vector.multi_reduction <add>, %get3A_1, %reduce_sum3A [1] : vector<2x10240xf32> to vector<2xf32>
    %slice3A = vector.extract_strided_slice %get3A_1 {offsets = [0, 0], sizes = [2, 10000], strides = [1, 1]} : vector<2x10240xf32> to vector<2x10000xf32>
    %get3A_3 = arith.constant 0 : index
    %get3A_4 = arith.constant 0 : index
    %get3A_5 = vector.load %arg1[%get3A_3, %get3A_4] : memref<10000x128xf32, #tpu.memory_space<vmem>>, vector<10000x128xf32>
    %dot_general3A = arith.constant dense<0.000000e+00> : vector<2x128xf32>
    %dot_general3A_6 = tpu.matmul %slice3A, %get3A_5, %dot_general3A {dimension_numbers = #tpu.dot_dimension_numbers<[1], [0], [0], [1], [0, 0, 1, 1], [], []>, precision = #tpu.contract_precision<fp32>, transpose_lhs_hint = false} : vector<2x10000xf32>, vector<10000x128xf32>, vector<2x128xf32> -> vector<2x128xf32>
    %gt3A = arith.constant 0.000000e+00 : f32
    %gt3A_7 = vector.broadcast %gt3A : f32 to vector<2xf32>
    %gt3A_8 = arith.cmpf ogt, %reduce_sum3A_2, %gt3A_7 : vector<2xf32>
    %broadcast_in_dim3A = vector.shape_cast %gt3A_8 : vector<2xi1> to vector<2x1xi1>
    %max3A = arith.constant 1.000000e+00 : f32
    %max3A_9 = vector.broadcast %max3A : f32 to vector<2xf32>
    %max3A_10 = arith.maximumf %reduce_sum3A_2, %max3A_9 : vector<2xf32>
    %broadcast_in_dim3A_11 = vector.shape_cast %max3A_10 : vector<2xf32> to vector<2x1xf32>
    %div3A = vector.broadcast %broadcast_in_dim3A_11 : vector<2x1xf32> to vector<2x128xf32>
    %div3A_12 = arith.divf %dot_general3A_6, %div3A : vector<2x128xf32>
    %jit3A = arith.constant 0.000000e+00 : f32
    %broadcast_in_dim3A_13 = vector.shape_cast %broadcast_in_dim3A : vector<2x1xi1> to vector<2x1xi1>
    %broadcast_in_dim3A_14 = vector.broadcast %broadcast_in_dim3A_13 : vector<2x1xi1> to vector<2x128xi1>
    %broadcast_in_dim3A_15 = vector.broadcast %jit3A : f32 to vector<2x128xf32>
    %select_n3A = arith.select %broadcast_in_dim3A_14, %div3A_12, %broadcast_in_dim3A_15 : vector<2x128xi1>, vector<2x128xf32>
    %slice3A_16 = vector.extract_strided_slice %select_n3A {offsets = [0, 0], sizes = [1, 128], strides = [1, 1]} : vector<2x128xf32> to vector<1x128xf32>
    %get3A_17 = arith.constant 0 : index
    %get3A_18 = arith.constant 0 : index
    %get3A_19 = vector.load %arg2[%get3A_17, %get3A_18] : memref<128x128xf32, #tpu.memory_space<vmem>>, vector<128x128xf32>
    %dot_general3A_20 = arith.constant dense<0.000000e+00> : vector<1x128xf32>
    %dot_general3A_21 = tpu.matmul %slice3A_16, %get3A_19, %dot_general3A_20 {dimension_numbers = #tpu.dot_dimension_numbers<[1], [1], [0], [0], [0, 0, 1, 0], [], []>, precision = #tpu.contract_precision<fp32>, transpose_lhs_hint = false} : vector<1x128xf32>, vector<128x128xf32>, vector<1x128xf32> -> vector<1x128xf32>
    %get3A_22 = arith.constant 0 : index
    %get3A_23 = arith.constant 0 : index
    %get3A_24 = vector.load %arg3[%get3A_22, %get3A_23] : memref<1x128xf32, #tpu.memory_space<vmem>>, vector<1x128xf32>
    %add3A = arith.addf %dot_general3A_21, %get3A_24 : vector<1x128xf32>
    %max3A_25 = arith.constant 0.000000e+00 : f32
    %max3A_26 = vector.broadcast %max3A_25 : f32 to vector<1x128xf32>
    %max3A_27 = arith.maximumf %add3A, %max3A_26 : vector<1x128xf32>
    %slice3A_28 = vector.extract_strided_slice %select_n3A {offsets = [1, 0], sizes = [1, 128], strides = [1, 1]} : vector<2x128xf32> to vector<1x128xf32>
    %get3A_29 = arith.constant 0 : index
    %get3A_30 = arith.constant 0 : index
    %get3A_31 = vector.load %arg4[%get3A_29, %get3A_30] : memref<128x128xf32, #tpu.memory_space<vmem>>, vector<128x128xf32>
    %dot_general3A_32 = arith.constant dense<0.000000e+00> : vector<1x128xf32>
    %dot_general3A_33 = tpu.matmul %slice3A_28, %get3A_31, %dot_general3A_32 {dimension_numbers = #tpu.dot_dimension_numbers<[1], [1], [0], [0], [0, 0, 1, 0], [], []>, precision = #tpu.contract_precision<fp32>, transpose_lhs_hint = false} : vector<1x128xf32>, vector<128x128xf32>, vector<1x128xf32> -> vector<1x128xf32>
    %get3A_34 = arith.constant 0 : index
    %get3A_35 = arith.constant 0 : index
    %get3A_36 = vector.load %arg5[%get3A_34, %get3A_35] : memref<1x128xf32, #tpu.memory_space<vmem>>, vector<1x128xf32>
    %add3A_37 = arith.addf %dot_general3A_33, %get3A_36 : vector<1x128xf32>
    %max3A_38 = arith.constant 0.000000e+00 : f32
    %max3A_39 = vector.broadcast %max3A_38 : f32 to vector<1x128xf32>
    %max3A_40 = arith.maximumf %add3A_37, %max3A_39 : vector<1x128xf32>
    %concatenate3A = tpu.concatenate %max3A_27, %max3A_40 in 1 : vector<1x128xf32>, vector<1x128xf32> -> vector<1x256xf32>
    %get3A_41 = arith.constant 0 : index
    %get3A_42 = arith.constant 0 : index
    %get3A_43 = vector.load %arg6[%get3A_41, %get3A_42] : memref<128x256xf32, #tpu.memory_space<vmem>>, vector<128x256xf32>
    %dot_general3A_44 = arith.constant dense<0.000000e+00> : vector<1x128xf32>
    %dot_general3A_45 = tpu.matmul %concatenate3A, %get3A_43, %dot_general3A_44 {dimension_numbers = #tpu.dot_dimension_numbers<[1], [1], [0], [0], [0, 0, 1, 0], [], []>, precision = #tpu.contract_precision<fp32>, transpose_lhs_hint = false} : vector<1x256xf32>, vector<128x256xf32>, vector<1x128xf32> -> vector<1x128xf32>
    %get3A_46 = arith.constant 0 : index
    %get3A_47 = arith.constant 0 : index
    %get3A_48 = vector.load %arg7[%get3A_46, %get3A_47] : memref<1x128xf32, #tpu.memory_space<vmem>>, vector<1x128xf32>
    %add3A_49 = arith.addf %dot_general3A_45, %get3A_48 : vector<1x128xf32>
    %broadcast_in_dim3A_50 = vector.shape_cast %add3A_49 : vector<1x128xf32> to vector<1x128xf32>
    %broadcast_in_dim3A_51 = vector.broadcast %broadcast_in_dim3A_50 : vector<1x128xf32> to vector<1024x128xf32>
    %swap3A = arith.constant 0 : index
    %swap3A_52 = arith.constant 0 : index
    %swap3A_53 = vector.load %arg8[%swap3A, %swap3A_52] : memref<1024x128xf32, #tpu.memory_space<vmem>>, vector<1024x128xf32>
    tpu.vector_store %arg8[%swap3A, %swap3A_52], %broadcast_in_dim3A_51 {strides = array<i32>} : memref<1024x128xf32, #tpu.memory_space<vmem>>, vector<1024x128xf32>,
    return
  }
}

</mosaic_0001>

<sc_bundles>
// kernel: kernel.4.cloned.1.call-start
scs
__scs_entry_jumppad:
0x0: {  	(pc) =	sbr.rel $0x88, $3  }
0x1: {  	(tag) =	ssettag $0x0;
	lr =	simm.s32 $0x1  }
0x2: {  	[smem:$0x3F98] =	sst lr;
	_ =	strace $0xD0000000  }
0x3: {  	_ = 	snop  }
0x4: {  	_ = 	snop  }
0x5: {  	_ = 	snop  }
0x6: {  	_ = 	snop  }
0x7: {  	_ = 	snop  }
__scs_overlays_trampoline_lowered:
0x8: {  	[smem:$0x3FA7] =	sst s0  }
0x9: {  	[smem:$0x3FA8] =	sst s1  }
0xa: {  	[smem:$0x3FA9] =	sst s2  }
0xb: {  	[smem:$0x3FAA] =	sst s3  }
0xc: {  	[smem:$0x3FAB] =	sst s4  }
0xd: {  	[smem:$0x3FAC] =	sst s5  }
0xe: {  	[smem:$0x3FAD] =	sst s6  }
0xf: {  	[smem:$0x3FAE] =	sst s7  }
0x10: {  	[smem:$0x3FAF] =	sst s8  }
0x11: {  	[smem:$0x3FB0] =	sst s9;
	s0 =	simm.s32 @!p0 $0x0  }
0x12: {  	s1 =	sld [smem:$0x3F96];
	s0 =	simm.s32 @p0 $0x1  }
0x13: {  	[smem:$0x3FB1] =	sst s0;
	s0 =	simm.s32 @!p1 $0x0  }
0x14: {  	s2 =	sld [smem:$0x3F95];
	s0 =	simm.s32 @p1 $0x1  }
0x15: {  	[smem:$0x3FB2] =	sst s0;
	s0 =	simm.s32 @!p2 $0x0  }
0x16: {  	s3 =	sld [smem:$0x3FDB];
	s0 =	simm.s32 @p2 $0x1  }
0x17: {  	s4 =	simm.s32 $0x1BF5;
	[smem:$0x3FB4] =	sst s0  }
0x18: {  	s0 =	sld [smem:$0x3F97];
	_ =	swait.ge [sflag:s4], $0x0  }
0x19: {  	s7 =	sld [smem:$0x3F98]  }
0x1a: {  	s8 =	sadd.s32 $0xFFFFE003, lr  }
0x1b: {  	s9 =	sadd.s32 $0xFFFFFEF7, lr;
	s5 =	simm.s32 $0xFFFFFFFF;
	p2 =	slt.u32 s8, $0xFFFFF086  }
0x1c: {  	p1 =	slt.u32 s9, $0xF7A;
	s5 =	simm.s32 @!p2 $0x0  }
0x1d: {  	s5 =	simm.s32 @p1 $0x1;
	p0 =	seq.s32 s7, s2  }
0x1e: {  	s7 =	smul.u32 @!p0 $0xF7A, s2;
	p2 =	seq.s32 @!p0 s5, $0x0  }
0x1f: {  	s9 =	smul.u32 $0xF7A, s1;
	s8 =	simm.s32 @!p0 $0x1BF5;
	p2 =	por !p2, p0  }
0x20: {  	[sflag:s8] =	ssyncset.s32 @!p0 $0xFFFFF086;
	s6 =	sadd.s32 @!p0 s3, s7;
	s7 =	simm.s32 @!p0 $0x108  }
0x21: {  	s3 =	sadd.s32 s3, s9;
	s6 =	sadd.s32 @!p0 $0x88, s6;
	s7 =	simm.s32 @p2 $0x1082  }
0x22: {  	[simem:s7], [sflag:s8] =	dma.local @!p0 [hbm:s6], $0xF7A  }
0x23: {  	s9 =	sor.u32 $0xD0000000, s2;
	s6 =	simm.s32 $0x108;
	_ =	swait.ge @!p0 [sflag:s8], $0x0  }
0x24: {  	s3 =	sadd.s32 $0x88, s3;
	s6 =	simm.s32 @!p1 $0x1082;
	[sflag:s4] =	ssyncset.s32 $0xFFFFF086  }
0x25: {  	[simem:s6], [sflag:s4] =	dma.local [hbm:s3], $0xF7A  }
0x26: {  	[smem:$0x3F98] =	sst s1;
	(tag) =	ssettag s2;
	_ =	strace s9  }
0x27: {  	s1 =	sld [smem:$0x3FA8]  }
0x28: {  	s2 =	sld [smem:$0x3FA9]  }
0x29: {  	s4 =	sld [smem:$0x3FAB]  }
0x2a: {  	p0 =	seq.s32 s5, $0x0;
	s5 =	sld [smem:$0x3FAC]  }
0x2b: {  	s6 =	sld [smem:$0x3FAD]  }
0x2c: {  	s7 =	sld [smem:$0x3FAE]  }
0x2d: {  	s3 =	simm.s32 $0x108;
	s8 =	sld [smem:$0x3FAF]  }
0x2e: {  	s3 =	simm.s32 @!p0 $0x1082;
	s9 =	sld [smem:$0x3FB0]  }
0x2f: {  	lr =	sadd.s32 s0, s3;
	s0 =	sld [smem:$0x3FA7]  }
0x30: {  	s3 =	sld [smem:$0x3FAA]  }
0x31: {  	[smem:$0x3FB3] =	sst s10  }
0x32: {  	s10 =	sld [smem:$0x3FB1];
	_ =	sdelay $0x3  }
0x33: {  	p0 =	seq.s32 s10, $0x1;
	s10 =	sld [smem:$0x3FB3];
	_ =	sdelay $0x3  }
0x34: {  	[smem:$0x3FB3] =	sst s10  }
0x35: {  	s10 =	sld [smem:$0x3FB2];
	_ =	sdelay $0x3  }
0x36: {  	p1 =	seq.s32 s10, $0x1;
	s10 =	sld [smem:$0x3FB3];
	_ =	sdelay $0x3  }
0x37: {  	[smem:$0x3FB3] =	sst s10  }
0x38: {  	s10 =	sld [smem:$0x3FB4]  }
0x39: {  	_ = 	snop;
	(pc) =	sbr.ind lr, $3  }
0x3a: {  	_ = 	snop  }
0x3b: {  	_ = 	snop  }
0x3c: {  	p2 =	seq.s32 s10, $0x1;
	s10 =	sld [smem:$0x3FB3]  }
0x3d: {  	_ =	shalt  }
0x3e: {  	_ =	shalt  }
0x3f: {  	_ =	shalt  }
0x40: {  	_ =	shalt  }
0x41: {  	_ =	shalt  }
0x42: {  	_ =	shalt  }
0x43: {  	_ =	shalt  }
0x44: {  	_ =	shalt  }
0x45: {  	_ =	shalt  }
0x46: {  	_ =	shalt  }
0x47: {  	_ =	shalt  }
0x48: {  	_ =	shalt  }
0x49: {  	_ =	shalt  }
0x4a: {  	_ =	shalt  }
0x4b: {  	_ =	shalt  }
0x4c: {  	_ =	shalt  }
0x4d: {  	_ =	shalt  }
0x4e: {  	_ =	shalt  }
0x4f: {  	_ =	shalt  }
0x50: {  	_ =	shalt  }
0x51: {  	_ =	shalt  }
0x52: {  	_ =	shalt  }
0x53: {  	_ =	shalt  }
0x54: {  	_ =	shalt  }
0x55: {  	_ =	shalt  }
0x56: {  	_ =	shalt  }
0x57: {  	_ =	shalt  }
0x58: {  	_ =	shalt  }
0x59: {  	_ =	shalt  }
0x5a: {  	_ =	shalt  }
0x5b: {  	_ =	shalt  }
0x5c: {  	_ =	shalt  }
0x5d: {  	_ =	shalt  }
0x5e: {  	_ =	shalt  }
0x5f: {  	_ =	shalt  }
0x60: {  	_ =	shalt  }
0x61: {  	_ =	shalt  }
0x62: {  	_ =	shalt  }
0x63: {  	_ =	shalt  }
0x64: {  	_ =	shalt  }
0x65: {  	_ =	shalt  }
0x66: {  	_ =	shalt  }
0x67: {  	_ =	shalt  }
0x68: {  	_ =	shalt  }
0x69: {  	_ =	shalt  }
0x6a: {  	_ =	shalt  }
0x6b: {  	_ =	shalt  }
0x6c: {  	_ =	shalt  }
0x6d: {  	_ =	shalt  }
0x6e: {  	_ =	shalt  }
0x6f: {  	_ =	shalt  }
0x70: {  	_ =	shalt  }
0x71: {  	_ =	shalt  }
0x72: {  	_ =	shalt  }
0x73: {  	_ =	shalt  }
0x74: {  	_ =	shalt  }
0x75: {  	_ =	shalt  }
0x76: {  	_ =	shalt  }
0x77: {  	_ =	shalt  }
0x78: {  	_ =	shalt  }
0x79: {  	_ =	shalt  }
0x7a: {  	_ =	shalt  }
0x7b: {  	_ =	shalt  }
0x7c: {  	_ =	shalt  }
0x7d: {  	_ =	shalt  }
0x7e: {  	_ =	shalt  }
0x7f: {  	_ =	shalt  }
0x80: {  	_ =	shalt  }
0x81: {  	_ =	shalt  }
0x82: {  	_ =	shalt  }
0x83: {  	_ =	shalt  }
0x84: {  	_ =	shalt  }
0x85: {  	_ =	shalt  }
0x86: {  	_ =	shalt  }
0x87: {  	_ =	shalt  }
.Lfunc_end0:
.L_simem_size_0:
called_computation_lowered:
.L_overlay_start_0:
0x88: {  	s0 =	sld [smem:$0x3FD9]  }
0x89: {  	s1 =	sld [smem:$0x3FFE];
	_ =	sdelay $0x3  }
0x8a: {  	s0 =	sadd.s32 s1, s0  }
0x8b: {  	[smem:$0x3FBF] =	sst s0  }
0x8c: {  	_ = 	snop  }
0x8d: {  	s0 =	sld [smem:$0x3FC7]  }
0x8e: {  	s16 =	sld [smem:$0x3FD0];
	(tm) =	ssettm $0x1  }
0x8f: {  	s2 =	sld [smem:$0x3FFB];
	_ =	sdelay $0x3  }
0x90: {  	_ =	strace s2  }
0x91: {  	s2 =	sld [smem:$0x3FFC];
	_ =	sdelay $0x3  }
0x92: {  	_ =	strace s2  }
0x93: {  	s2 =	sld [smem:$0x3FFD];
	_ =	sdelay $0x3  }
0x94: {  	_ =	strace s2  }
0x95: {  	_ =	strace $0x8FFFFFFF  }
0x96: {  	s17 =	sld [smem:$0x3FDB];
	_ =	sdelay $0x1  }
0x97: {  	s3 =	simm.s32 $_scs_section_size  }
0x98: {  	s4 =	simm.s32 $_size__tile_overlayer_lowered;
	s5 =	simm.s32 $_tile_overlayer_lowered  }
0x99: {  	s20 =	simm.s32 $0x1BFF;
	s19 =	sshll.u32 s5, $0x1;
	s2 =	sadd.s32 s3, s17  }
0x9a: {  	s6 =	simm.s32 $0x0;
	s18 =	sshll.u32 s4, $0x1;
	s4 =	sadd.s32 s19, s2  }
0x9b: {  	[timem:s6], [sflag:s20] =	dma.local [hbm:s4], s18  }
0x9c: {  	_ =	swait.ge [sflag:s20], s18  }
0x9d: {  	s3 =	ssub.s32 $0x0, s18;
	[sflag:s20] =	ssyncset.done $0x0  }
0x9e: {  	[sflag:s20] =	ssyncadd.s32 s3;
	_ =	sdelay $0x1  }
0x9f: {  	s21 =	simm.s32 $0x1B8B  }
0xa0: {  	_ =	swait.ge [sflag:s21], $0x1  }
0xa1: {  	[sflag:s21] =	ssyncset.done $0x0  }
0xa2: {  	s23 =	simm.s32 $0x1B8E;
	s22 =	sld [smem:$0x3FFE];
	[sflag:s21] =	ssyncadd.s32 $0xFFFFFFFF  }
0xa3: {  	s24 =	simm.s32 $execute0_lowered;
	[smem:$0x3FD2] =	sst s23  }
0xa4: {  	s4 =	sshll.u32 s24, $0x1;
	_ =	strace $0x80000046;
	[dreg:$0x1] =	wrdreg $0xFFFFFFFF  }
0xa5: {  	s25 =	simm.s32 $_size_execute0_lowered;
	s2 =	sadd.s32 s2, s4;
	[dreg:$0x0] =	wrdreg $0x0  }
0xa6: {  	s4 =	sshll.u32 s25, $0x1;
	[dreg:$0x2] =	wrdreg s2  }
0xa7: {  	[dreg:$0x3] =	wrdreg s4  }
0xa8: {  	[dreg:$0x4] =	wrdreg $0xC0  }
0xa9: {  	_ =	task [dreg:s6], $0x5FFFF  }
0xaa: {  	[dreg:$0x1] =	wrdreg $0xFFFFFFFF  }
0xab: {  	[dreg:$0x0] =	wrdreg $0x60  }
0xac: {  	[dreg:$0x2] =	wrdreg s22  }
0xad: {  	[dreg:$0x3] =	wrdreg s0  }
0xae: {  	[dreg:$0x4] =	wrdreg s16  }
0xaf: {  	[dreg:$0x5] =	wrdreg $0x14B000  }
0xb0: {  	[dreg:$0x6] =	wrdreg $0x173000  }
0xb1: {  	[dreg:$0x7] =	wrdreg $0x9  }
0xb2: {  	_ =	task.clear_ibuf [dreg:s6], $0x8FFFF;
	_ =	strace $0x90000046  }
0xb3: {  	s26 =	simm.s32 $0x9;
	_ =	strace $0x80000048  }
0xb4: {  	_ =	swait.ge [sflag:s26], $0x1  }
0xb5: {  	[sflag:s26] =	ssyncadd.s32 $0xFFFFFFFF  }
0xb6: {  	_ =	strace $0x90000048  }
0xb7: {  	_ =	sfence  }
0xb8: {  	s28 =	sld [smem:$0x0];
	_ =	sdelay $0x1  }
0xb9: {  	s29 =	srdreg.scid  }
0xba: {  	s30 =	sshll.u32 s29, $0xD;
	s31 =	sshrl.u32 s29, $0x2  }
0xbb: {  	s1 =	sand.u32 $0x1, s29;
	s2 =	sand.u32 $0x4000, s30;
	s0 =	sadd.s32 s31, s28  }
0xbc: {  	s1 =	sor.u32 s2, s1;
	s0 =	sshll.u32 s0, $0x11  }
0xbd: {  	s0 =	sor.u32 s0, s1  }
0xbe: {  	s0 =	sadd.s32 $0x8F2B, s0  }
0xbf: {  	[sflag:s0] =	ssyncadd.remote.s32 $0x1  }
0xc0: {  	_ =	sfence.sel $0xFFFF  }
0xc1: {  	[dreg:$0x0] =	wrdreg $0xFFFFFFFF;
	(pc) =	sbr.abs _section_cstart, $3  }
0xc2: {  	[dreg:$0x1] =	wrdreg $0xFFFFFFFF  }
0xc3: {  	_ =	task.clear_ibuf [dreg:s6], $0x2FFFF;
	_ =	strace $0x9FFFFFFF  }
0xc4: {  	(tm) =	ssettm $0x7FFFFFFF  }
0xc5: {  	_ =	shalt  }
tec
execute0_lowered:
.L_overlay_start_1:
0x0: {  	(tag) =	ssettag $0x1  }
0x1: {  	s2 =	stileid.u32  }
0x2: {  	s2 =	smul.u32 $0x4E20, s2  }
0x3: {  	s0 =	rddreg [dreg:$0x0]  }
0x4: {  	s1 =	rddreg [dreg:$0x1];
	s3 =	simm.s32 $0x0;
	s2 =	sshrl.u32 s2, $0x3  }
0x5: {  	[smem:$0x7FF] =	sst s3;
	s0 =	sadd.s32 s2, s0  }
0x6: {  	s4 =	rddreg [dreg:$0x3];
	_ =	strace $0x80000047;
	s2 =	sadd.s32 $0x1800, s0  }
0x7: {  	[tilespmem:s3], [sflag:$0x1] =	stream.linear.gather [hbm4b:s2+s3], $0x2710, $0x38;
	[tilespmem:$0x17580] =	vst v63  }
0x8: {  	s5 =	simm.s32 $0x4E80;
	s26 =	sadd.s32 $0xB440, s0  }
0x9: {  	[tilespmem:s5], [sflag:$0x1] =	stream.linear.gather [hbm4b:s26+s3], $0x2710, $0x38;
	[tilespmem:$0x17580] =	vst v63  }
0xa: {  	s29 =	simm.s32 $0x2710;
	s28 =	sadd.s32 $0x1CE2, s0  }
0xb: {  	[tilespmem:s29], [sflag:$0x2] =	stream.linear.gather [hbm4b:s28+s3], $0x2710, $0x38;
	[tilespmem:$0x17580] =	vst v63  }
0xc: {  	s30 =	simm.s32 $0x7590;
	s0 =	sadd.s32 $0xB922, s0  }
0xd: {  	[tilespmem:s30], [sflag:$0x2] =	stream.linear.gather [hbm4b:s0+s3], $0x2710, $0x38;
	[tilespmem:$0x17580] =	vst v63  }
0xe: {  	s31 =	simm.s32 $0x11500;
	s0 =	simm.s32 $0x9D40  }
0xf: {  	v0 =	vimm.s32 $0x0;
	[tilespmem:s31], [sflag:$0x3] =	stream.linear.gather [hbm4b:s1+s3], $0x400, $0x38;
	[tilespmem:$0x17580] =	vst v63  }
0x10: {  	[tilespmem:s0+$0xFFFFFFD0] =	vst v0  }
0x11: {  	[tilespmem:s0+$0x0] =	vst v0  }
0x12: {  	[tilespmem:s0+$0xFFFFFFC0] =	vst v0  }
0x13: {  	[tilespmem:s0+$0x30] =	vst v0  }
0x14: {  	[tilespmem:s0+$0xFFFFFFF0] =	vst v0  }
0x15: {  	[tilespmem:s0+$0xFFFFFFE0] =	vst v0  }
0x16: {  	[tilespmem:s0+$0x10] =	vst v0  }
0x17: {  	s2 =	simm.s32 $0xC540;
	[tilespmem:s0+$0x20] =	vst v0  }
0x18: {  	[tilespmem:s2+$0xFFFFFFC0] =	vst v0  }
0x19: {  	[tilespmem:s2+$0x30] =	vst v0  }
0x1a: {  	[tilespmem:s2+$0x0] =	vst v0  }
0x1b: {  	[tilespmem:s2+$0x20] =	vst v0  }
0x1c: {  	[tilespmem:s2+$0x10] =	vst v0  }
0x1d: {  	[tilespmem:s2+$0xFFFFFFD0] =	vst v0  }
0x1e: {  	[tilespmem:s2+$0xFFFFFFE0] =	vst v0  }
0x1f: {  	s1 =	simm.s32 $0xED40;
	[tilespmem:s2+$0xFFFFFFF0] =	vst v0  }
0x20: {  	[tilespmem:s1+$0xFFFFFFC0] =	vst v0  }
0x21: {  	[tilespmem:s1+$0x30] =	vst v0  }
0x22: {  	[tilespmem:s1+$0x20] =	vst v0  }
0x23: {  	[tilespmem:s1+$0x10] =	vst v0  }
0x24: {  	s5 =	simm.s32 $0xEDC0;
	s3 =	simm.s32 $0x0;
	[tilespmem:s1+$0xFFFFFFD0] =	vst v0  }
.LBB2_1:
0x25: {  	s3 =	sadd.s32 $0x80, s3;
	[tilespmem:s1+$0xFFFFFFE0] =	vst v0;
	s0 =	sadd.s32 $0x80, s0;
	s2 =	sadd.s32 $0x80, s2  }
0x26: {  	p0 =	slt.u32 s3, $0x2780;
	[tilespmem:s1+$0x0] =	vst v0  }
0x27: {  	[tilespmem:s1+$0xFFFFFFF0] =	vst v0;
	s1 =	smov.u32 s5  }
0x28: {  	[tilespmem:s0+$0xFFFFFFD0] =	vst v0  }
0x29: {  	[tilespmem:s0+$0x0] =	vst v0  }
0x2a: {  	[tilespmem:s0+$0xFFFFFFC0] =	vst v0  }
0x2b: {  	[tilespmem:s2+$0xFFFFFFC0] =	vst v0  }
0x2c: {  	[tilespmem:s5+$0xFFFFFFC0] =	vst v0  }
0x2d: {  	[tilespmem:s0+$0x30] =	vst v0  }
0x2e: {  	[tilespmem:s2+$0x30] =	vst v0  }
0x2f: {  	[tilespmem:s5+$0x30] =	vst v0  }
0x30: {  	[tilespmem:s2+$0x0] =	vst v0  }
0x31: {  	[tilespmem:s0+$0xFFFFFFF0] =	vst v0  }
0x32: {  	[tilespmem:s0+$0xFFFFFFE0] =	vst v0  }
0x33: {  	[tilespmem:s0+$0x10] =	vst v0  }
0x34: {  	[tilespmem:s0+$0x20] =	vst v0  }
0x35: {  	[tilespmem:s2+$0x20] =	vst v0  }
0x36: {  	[tilespmem:s5+$0x20] =	vst v0  }
0x37: {  	[tilespmem:s2+$0x10] =	vst v0  }
.Ltmp0:
0x38: {  	[tilespmem:s5+$0x10] =	vst v0;
	(pc) =	sbr.rel @p0 .LBB2_1-.Ltmp0, $4  }
0x39: {  	[tilespmem:s2+$0xFFFFFFD0] =	vst v0  }
0x3a: {  	[tilespmem:s2+$0xFFFFFFE0] =	vst v0  }
0x3b: {  	[tilespmem:s5+$0xFFFFFFD0] =	vst v0  }
0x3c: {  	s5 =	sadd.s32 $0x80, s5;
	[tilespmem:s2+$0xFFFFFFF0] =	vst v0  }
0x3d: {  	[tilespmem:s1+$0xFFFFFFE0] =	vst v0  }
0x3e: {  	[tilespmem:s1+$0x0] =	vst v0  }
0x3f: {  	[tilespmem:s1+$0xFFFFFFF0] =	vst v0;
	s0 =	simm.s32 $0x3  }
0x40: {  	_ =	swait.ge [sflag:s0], $0x400  }
0x41: {  	[sflag:s0] =	ssyncset.done $0x0  }
0x42: {  	s2 =	simm.s32 $0x11520;
	[sflag:s0] =	ssyncadd.s32 $0xFFFFFC00  }
0x43: {  	v1 =	vld [tilespmem:s2+$0x10]  }
0x44: {  	v2 =	vld [tilespmem:s2+$0xFFFFFFF0]  }
0x45: {  	v3 =	vld [tilespmem:s2+$0x0]  }
0x46: {  	v4 =	vld [tilespmem:s2+$0xFFFFFFE0];
	_ =	sdelay $0x3  }
0x47: {  	v0 =	vimm.s32 $0x1;
	s1 =	simm.s32 $0x0;
	s0 =	simm.s32 $0x9D00;
	s2 =	simm.s32 $0x11560  }
.LBB2_3:
0x48: {  	s1 =	sadd.s32 $0x40, s1;
	[tilespmem:v1+s0+$0x0] =	vst.idx.msk $0xffff, v0;
	v1 =	vld [tilespmem:s2+$0x10]  }
0x49: {  	p0 =	slt.u32 s1, $0x3C0;
	[tilespmem:v2+s0+$0x0] =	vst.idx.msk $0xffff, v0;
	v2 =	vld [tilespmem:s2+$0xFFFFFFF0]  }
0x4a: {  	[tilespmem:v3+s0+$0x0] =	vst.idx.msk $0xffff, v0;
	v3 =	vld [tilespmem:s2+$0x0]  }
.Ltmp1:
0x4b: {  	[tilespmem:v4+s0+$0x0] =	vst.idx.msk $0xffff, v0;
	v4 =	vld [tilespmem:s2+$0xFFFFFFE0];
	(pc) =	sbr.rel @p0 .LBB2_3-.Ltmp1, $2  }
0x4c: {  	_ =	sdelay $0x2  }
0x4d: {  	s2 =	sadd.s32 $0x40, s2  }
0x4e: {  	_ =	sdelay $0x3  }
0x4f: {  	[tilespmem:v1+s0+$0x0] =	vst.idx.msk $0xffff, v0  }
0x50: {  	[tilespmem:v2+s0+$0x0] =	vst.idx.msk $0xffff, v0  }
0x51: {  	[tilespmem:v3+s0+$0x0] =	vst.idx.msk $0xffff, v0  }
0x52: {  	[tilespmem:v4+s0+$0x0] =	vst.idx.msk $0xffff, v0;
	s31 =	simm.s32 $0x1  }
0x53: {  	_ =	swait.ge [sflag:s31], $0x2710  }
0x54: {  	[sflag:s31] =	ssyncset.done $0x0  }
0x55: {  	[sflag:s31] =	ssyncadd.s32 $0xFFFFD8F0  }
0x56: {  	_ =	swait.ge [sflag:s31], $0x2710  }
0x57: {  	[sflag:s31] =	ssyncset.done $0x0  }
0x58: {  	s1 =	simm.s32 $0x40;
	[sflag:s31] =	ssyncadd.s32 $0xFFFFD8F0  }
0x59: {  	v0 =	vld [tilespmem:s1+$0x30]  }
0x5a: {  	v1 =	vld [tilespmem:s1+$0xFFFFFFD0]  }
0x5b: {  	v2 =	vld [tilespmem:s1+$0xFFFFFFE0]  }
0x5c: {  	v3 =	vld [tilespmem:s1+$0xFFFFFFF0]  }
0x5d: {  	v4 =	vld [tilespmem:s1+$0x0]  }
0x5e: {  	v5 =	vld [tilespmem:s1+$0x10]  }
0x5f: {  	v6 =	vld [tilespmem:s1+$0x20]  }
0x60: {  	v7 =	vld [tilespmem:s1+$0xFFFFFFC0];
	s1 =	simm.s32 $0x4EC0  }
0x61: {  	s0 =	simm.s32 $0x9D00;
	v11 =	vld [tilespmem:s1+$0x30]  }
0x62: {  	v0 =	vld.idx.msk [tilespmem:v0+s0+$0x0], $0xffff  }
0x63: {  	v8 =	vld.idx.msk [tilespmem:v1+s0+$0x0], $0xffff  }
0x64: {  	v9 =	vld.idx.msk [tilespmem:v2+s0+$0x0], $0xffff  }
0x65: {  	v10 =	vld.idx.msk [tilespmem:v3+s0+$0x0], $0xffff  }
0x66: {  	v12 =	vld.idx.msk [tilespmem:v4+s0+$0x0], $0xffff  }
0x67: {  	v13 =	vld.idx.msk [tilespmem:v5+s0+$0x0], $0xffff  }
0x68: {  	v7 =	vld.idx.msk [tilespmem:v7+s0+$0x0], $0xffff  }
0x69: {  	v14 =	vld.idx.msk [tilespmem:v6+s0+$0x0], $0xffff  }
0x6a: {  	v1 =	vld [tilespmem:s1+$0xFFFFFFC0];
	vm4 =	vgt.s32 v0, $0x0  }
0x6b: {  	v5 =	vld [tilespmem:s1+$0xFFFFFFD0]  }
0x6c: {  	v2 =	vld [tilespmem:s1+$0xFFFFFFE0]  }
0x6d: {  	v3 =	vld [tilespmem:s1+$0xFFFFFFF0];
	vm2 =	vgt.s32 v8, $0x0  }
0x6e: {  	v4 =	vld [tilespmem:s1+$0x0];
	vm6 =	vgt.s32 v7, $0x0  }
0x6f: {  	s2 =	simm.s32 $0xC500;
	v6 =	vld [tilespmem:s1+$0x10];
	vm0 =	vgt.s32 v9, $0x0;
	vm1 =	vgt.s32 v10, $0x0;
	v0 =	vimm.s32 $0x1  }
0x70: {  	s3 =	simm.s32 $0x0;
	s5 =	simm.s32 $0xC0;
	vm3 =	vgt.s32 v12, $0x0;
	vm5 =	vgt.s32 v14, $0x0;
	v7 =	vld [tilespmem:s1+$0x20];
	[tilespmem:v11+s2+$0x0] =	vst.idx.msk vm4, v0;
	vm4 =	vgt.s32 v13, $0x0  }
.LBB2_5:
0x71: {  	v8 =	vld [tilespmem:s5+$0x30];
	s3 =	sadd.s32 $0x80, s3  }
0x72: {  	v9 =	vld [tilespmem:s5+$0xFFFFFFD0];
	p0 =	slt.u32 s3, $0x2680  }
0x73: {  	v10 =	vld [tilespmem:s5+$0xFFFFFFE0];
	[tilespmem:v5+s2+$0x0] =	vst.idx.msk vm2, v0  }
0x74: {  	v5 =	vld [tilespmem:s5+$0xFFFFFFF0];
	[tilespmem:v1+s2+$0x0] =	vst.idx.msk vm6, v0  }
0x75: {  	v1 =	vld [tilespmem:s5+$0x0];
	[tilespmem:v2+s2+$0x0] =	vst.idx.msk vm0, v0  }
0x76: {  	v2 =	vld [tilespmem:s5+$0x10];
	[tilespmem:v3+s2+$0x0] =	vst.idx.msk vm1, v0  }
0x77: {  	v3 =	vld [tilespmem:s5+$0x20];
	[tilespmem:v4+s2+$0x0] =	vst.idx.msk vm3, v0  }
0x78: {  	v4 =	vld [tilespmem:s5+$0xFFFFFFC0];
	[tilespmem:v6+s2+$0x0] =	vst.idx.msk vm4, v0  }
0x79: {  	v6 =	vld.idx.msk [tilespmem:v8+s0+$0x0], $0xffff;
	[tilespmem:v7+s2+$0x0] =	vst.idx.msk vm5, v0  }
0x7a: {  	v7 =	vld.idx.msk [tilespmem:v9+s0+$0x0], $0xffff  }
0x7b: {  	v8 =	vld.idx.msk [tilespmem:v10+s0+$0x0], $0xffff  }
0x7c: {  	s1 =	sadd.s32 $0x80, s1;
	v5 =	vld.idx.msk [tilespmem:v5+s0+$0x0], $0xffff  }
0x7d: {  	v9 =	vld [tilespmem:s1+$0x30]  }
0x7e: {  	v10 =	vld.idx.msk [tilespmem:v1+s0+$0x0], $0xffff  }
0x7f: {  	vm5 =	vgt.s32 v6, $0x0;
	v11 =	vld.idx.msk [tilespmem:v2+s0+$0x0], $0xffff  }
0x80: {  	vm2 =	vgt.s32 v7, $0x0;
	v4 =	vld.idx.msk [tilespmem:v4+s0+$0x0], $0xffff  }
0x81: {  	vm0 =	vgt.s32 v8, $0x0;
	v7 =	vld.idx.msk [tilespmem:v3+s0+$0x0], $0xffff  }
0x82: {  	vm1 =	vgt.s32 v5, $0x0;
	v1 =	vld [tilespmem:s1+$0xFFFFFFC0]  }
0x83: {  	v5 =	vld [tilespmem:s1+$0xFFFFFFD0]  }
.Ltmp2:
0x84: {  	vm3 =	vgt.s32 v10, $0x0;
	v2 =	vld [tilespmem:s1+$0xFFFFFFE0];
	(pc) =	sbr.rel @p0 .LBB2_5-.Ltmp2, $4  }
0x85: {  	vm4 =	vgt.s32 v11, $0x0;
	v3 =	vld [tilespmem:s1+$0xFFFFFFF0];
	[tilespmem:v9+s2+$0x0] =	vst.idx.msk vm5, v0  }
0x86: {  	vm6 =	vgt.s32 v4, $0x0;
	v4 =	vld [tilespmem:s1+$0x0]  }
0x87: {  	vm5 =	vgt.s32 v7, $0x0;
	v6 =	vld [tilespmem:s1+$0x10]  }
0x88: {  	s5 =	sadd.s32 $0x80, s5;
	v7 =	vld [tilespmem:s1+$0x20]  }
0x89: {  	_ =	sdelay $0x4  }
0x8a: {  	[tilespmem:v5+s2+$0x0] =	vst.idx.msk vm2, v0  }
0x8b: {  	[tilespmem:v1+s2+$0x0] =	vst.idx.msk vm6, v0  }
0x8c: {  	[tilespmem:v2+s2+$0x0] =	vst.idx.msk vm0, v0  }
0x8d: {  	[tilespmem:v3+s2+$0x0] =	vst.idx.msk vm1, v0  }
0x8e: {  	[tilespmem:v4+s2+$0x0] =	vst.idx.msk vm3, v0  }
0x8f: {  	[tilespmem:v6+s2+$0x0] =	vst.idx.msk vm4, v0  }
0x90: {  	[tilespmem:v7+s2+$0x0] =	vst.idx.msk vm5, v0  }
0x91: {  	v0 =	vld [tilespmem:$0x2700];
	_ =	sdelay $0x6  }
0x92: {  	s1 =	simm.s32 $0x9D00  }
0x93: {  	v0 =	vld.idx.msk [tilespmem:v0+s1+$0x0], $0xffff;
	_ =	sdelay $0x2  }
0x94: {  	v1 =	vld [tilespmem:$0x7580];
	_ =	sdelay $0x1  }
0x95: {  	vm0 =	vgt.s32 v0, $0x0;
	_ =	sdelay $0x4  }
0x96: {  	s0 =	simm.s32 $0xC500;
	v0 =	vimm.s32 $0x1  }
0x97: {  	s30 =	simm.s32 $0x2;
	[tilespmem:v1+s0+$0x0] =	vst.idx.msk vm0, v0  }
0x98: {  	_ =	swait.ge [sflag:s30], $0x2710  }
0x99: {  	[sflag:s30] =	ssyncset.done $0x0  }
0x9a: {  	[sflag:s30] =	ssyncadd.s32 $0xFFFFD8F0  }
0x9b: {  	_ =	swait.ge [sflag:s30], $0x2710  }
0x9c: {  	[sflag:s30] =	ssyncset.done $0x0  }
0x9d: {  	s31 =	simm.s32 $0x2780;
	[sflag:s30] =	ssyncadd.s32 $0xFFFFD8F0  }
0x9e: {  	v1 =	vld [tilespmem:s31+$0x0]  }
0x9f: {  	v2 =	vld [tilespmem:s31+$0xFFFFFFA0]  }
0xa0: {  	v3 =	vld [tilespmem:s31+$0xFFFFFFB0]  }
0xa1: {  	v4 =	vld [tilespmem:s31+$0xFFFFFFC0]  }
0xa2: {  	v5 =	vld [tilespmem:s31+$0xFFFFFFD0]  }
0xa3: {  	v6 =	vld [tilespmem:s31+$0xFFFFFFE0]  }
0xa4: {  	v7 =	vld [tilespmem:s31+$0xFFFFFFF0]  }
0xa5: {  	s2 =	simm.s32 $0x7600;
	v8 =	vld [tilespmem:s31+$0xFFFFFF90]  }
0xa6: {  	v12 =	vld [tilespmem:s2+$0x0]  }
0xa7: {  	v1 =	vld.idx.msk [tilespmem:v1+s1+$0x0], $0xffff  }
0xa8: {  	v9 =	vld.idx.msk [tilespmem:v2+s1+$0x0], $0xffff  }
0xa9: {  	v10 =	vld.idx.msk [tilespmem:v3+s1+$0x0], $0xffff  }
0xaa: {  	v11 =	vld.idx.msk [tilespmem:v4+s1+$0x0], $0xffff  }
0xab: {  	v13 =	vld.idx.msk [tilespmem:v5+s1+$0x0], $0xffff  }
0xac: {  	v14 =	vld.idx.msk [tilespmem:v6+s1+$0x0], $0xffff  }
0xad: {  	v8 =	vld.idx.msk [tilespmem:v8+s1+$0x0], $0xffff  }
0xae: {  	v7 =	vld.idx.msk [tilespmem:v7+s1+$0x0], $0xffff  }
0xaf: {  	v5 =	vld [tilespmem:s2+$0xFFFFFFA0];
	vm4 =	vgt.s32 v1, $0x0  }
0xb0: {  	v2 =	vld [tilespmem:s2+$0xFFFFFFB0]  }
0xb1: {  	v1 =	vld [tilespmem:s2+$0xFFFFFF90]  }
0xb2: {  	v3 =	vld [tilespmem:s2+$0xFFFFFFC0];
	vm3 =	vgt.s32 v9, $0x0  }
0xb3: {  	v4 =	vld [tilespmem:s2+$0xFFFFFFD0];
	vm6 =	vgt.s32 v8, $0x0  }
0xb4: {  	v6 =	vld [tilespmem:s2+$0xFFFFFFE0];
	vm0 =	vgt.s32 v10, $0x0;
	vm1 =	vgt.s32 v11, $0x0  }
0xb5: {  	s3 =	simm.s32 $0x2710;
	s5 =	simm.s32 $0x2800;
	vm2 =	vgt.s32 v13, $0x0;
	vm5 =	vgt.s32 v7, $0x0;
	v7 =	vld [tilespmem:s2+$0xFFFFFFF0];
	[tilespmem:v12+s0+$0x0] =	vst.idx.msk vm4, v0;
	vm4 =	vgt.s32 v14, $0x0  }
.LBB2_7:
0xb6: {  	v8 =	vld [tilespmem:s5+$0x0];
	s3 =	sadd.s32 $0x80, s3  }
0xb7: {  	v9 =	vld [tilespmem:s5+$0xFFFFFFA0];
	p0 =	slt.u32 s3, $0x4D90  }
0xb8: {  	v10 =	vld [tilespmem:s5+$0xFFFFFFB0];
	[tilespmem:v5+s0+$0x0] =	vst.idx.msk vm3, v0  }
0xb9: {  	v5 =	vld [tilespmem:s5+$0xFFFFFFC0];
	[tilespmem:v1+s0+$0x0] =	vst.idx.msk vm6, v0  }
0xba: {  	v1 =	vld [tilespmem:s5+$0xFFFFFFD0];
	[tilespmem:v2+s0+$0x0] =	vst.idx.msk vm0, v0  }
0xbb: {  	v2 =	vld [tilespmem:s5+$0xFFFFFFE0];
	[tilespmem:v3+s0+$0x0] =	vst.idx.msk vm1, v0  }
0xbc: {  	v3 =	vld [tilespmem:s5+$0xFFFFFFF0];
	[tilespmem:v4+s0+$0x0] =	vst.idx.msk vm2, v0  }
0xbd: {  	v4 =	vld [tilespmem:s5+$0xFFFFFF90];
	[tilespmem:v6+s0+$0x0] =	vst.idx.msk vm4, v0  }
0xbe: {  	v6 =	vld.idx.msk [tilespmem:v8+s1+$0x0], $0xffff;
	[tilespmem:v7+s0+$0x0] =	vst.idx.msk vm5, v0  }
0xbf: {  	v7 =	vld.idx.msk [tilespmem:v9+s1+$0x0], $0xffff  }
0xc0: {  	v8 =	vld.idx.msk [tilespmem:v10+s1+$0x0], $0xffff  }
0xc1: {  	s2 =	sadd.s32 $0x80, s2;
	v5 =	vld.idx.msk [tilespmem:v5+s1+$0x0], $0xffff  }
0xc2: {  	v9 =	vld [tilespmem:s2+$0x0]  }
0xc3: {  	v10 =	vld.idx.msk [tilespmem:v1+s1+$0x0], $0xffff  }
0xc4: {  	vm5 =	vgt.s32 v6, $0x0;
	v11 =	vld.idx.msk [tilespmem:v2+s1+$0x0], $0xffff  }
0xc5: {  	vm3 =	vgt.s32 v7, $0x0;
	v4 =	vld.idx.msk [tilespmem:v4+s1+$0x0], $0xffff  }
0xc6: {  	vm0 =	vgt.s32 v8, $0x0;
	v7 =	vld.idx.msk [tilespmem:v3+s1+$0x0], $0xffff  }
0xc7: {  	vm1 =	vgt.s32 v5, $0x0;
	v1 =	vld [tilespmem:s2+$0xFFFFFF90]  }
0xc8: {  	v5 =	vld [tilespmem:s2+$0xFFFFFFA0]  }
.Ltmp3:
0xc9: {  	vm2 =	vgt.s32 v10, $0x0;
	v2 =	vld [tilespmem:s2+$0xFFFFFFB0];
	(pc) =	sbr.rel @p0 .LBB2_7-.Ltmp3, $4  }
0xca: {  	vm4 =	vgt.s32 v11, $0x0;
	v3 =	vld [tilespmem:s2+$0xFFFFFFC0];
	[tilespmem:v9+s0+$0x0] =	vst.idx.msk vm5, v0  }
0xcb: {  	vm6 =	vgt.s32 v4, $0x0;
	v4 =	vld [tilespmem:s2+$0xFFFFFFD0]  }
0xcc: {  	vm5 =	vgt.s32 v7, $0x0;
	v6 =	vld [tilespmem:s2+$0xFFFFFFE0]  }
0xcd: {  	s5 =	sadd.s32 $0x80, s5;
	v7 =	vld [tilespmem:s2+$0xFFFFFFF0]  }
0xce: {  	_ =	sdelay $0x4  }
0xcf: {  	[tilespmem:v5+s0+$0x0] =	vst.idx.msk vm3, v0  }
0xd0: {  	[tilespmem:v1+s0+$0x0] =	vst.idx.msk vm6, v0  }
0xd1: {  	[tilespmem:v2+s0+$0x0] =	vst.idx.msk vm0, v0  }
0xd2: {  	[tilespmem:v3+s0+$0x0] =	vst.idx.msk vm1, v0  }
0xd3: {  	[tilespmem:v4+s0+$0x0] =	vst.idx.msk vm2, v0  }
0xd4: {  	[tilespmem:v6+s0+$0x0] =	vst.idx.msk vm4, v0  }
0xd5: {  	[tilespmem:v7+s0+$0x0] =	vst.idx.msk vm5, v0  }
0xd6: {  	v0 =	vld [tilespmem:$0x4E10];
	_ =	sdelay $0x6  }
0xd7: {  	s17 =	simm.s32 $0x9D00  }
0xd8: {  	v0 =	vld.idx.msk [tilespmem:v0+s17+$0x0], $0xffff;
	_ =	sdelay $0x2  }
0xd9: {  	v1 =	vld [tilespmem:$0x9C90]  }
0xda: {  	s3 =	stileid.u32  }
0xdb: {  	s18 =	sshrl.u32 s3, $0x3;
	vm0 =	vgt.s32 v0, $0x0  }
0xdc: {  	s0 =	smul.u32 $0x50000, s18;
	_ =	sdelay $0x1  }
0xdd: {  	s1 =	sshll.u32 s3, $0x7;
	s0 =	sshrl.u32 s0, $0x2  }
0xde: {  	s1 =	sand.u32 $0x380, s1;
	s0 =	sadd.s32 s0, s4  }
0xdf: {  	s2 =	simm.s32 $0xC500;
	s19 =	simm.s32 $0x80;
	s5 =	sadd.s32 s1, s0;
	v0 =	vimm.s32 $0x1  }
0xe0: {  	s20 =	simm.s32 $0x400;
	s21 =	simm.s32 $0x4;
	[dreg:$0x13] =	wrdreg s5;
	[tilespmem:v1+s2+$0x0] =	vst.idx.msk vm0, v0  }
0xe1: {  	[spmem:s5] =	stream.strided.scatter [tilespmem:s2], [sflag:$0x4], $0x2800, s20, s19, $0x38;
	[tilespmem:$0x17580] =	vst v63  }
0xe2: {  	s22 =	smul.u32 $0x5000, s3;
	_ =	swait.ge [sflag:s21], $0x2800  }
0xe3: {  	s24 =	simm.s32 $0x1400;
	[sflag:s21] =	ssyncset.done $0x0  }
0xe4: {  	s25 =	simm.s32 $0x14000;
	s1 =	sshrl.u32 s22, $0x2;
	[sflag:s21] =	ssyncadd.s32 $0xFFFFD800  }
0xe5: {  	s26 =	simm.s32 $0x11900;
	s23 =	sadd.s32 s1, s4;
	[bflag:$0x0] =	sbarrier.arrive $0xFFFF  }
0xe6: {  	s28 =	simm.s32 $0x0;
	s11 =	simm.s32 $0x0;
	[dreg:$0x14] =	wrdreg s23  }
0xe7: {  	[tilespmem:s26], [sflag:$0x4] =	stream.strided.gather [spmem:s23], $0x2800, s25, s24, $0x38;
	[tilespmem:$0x17580] =	vst v63  }
0xe8: {  	s13 =	sand.u32 $0x40, s11;
	s29 =	sand.u32 $0x1C00, s28;
	_ =	swait.ge [sflag:s21], $0x2800  }
0xe9: {  	s8 =	sor.u32 $0x30, s13;
	s1 =	sadd.s32 $0x11900, s29;
	[sflag:s21] =	ssyncset.done $0x0  }
0xea: {  	s30 =	sor.u32 s8, s1;
	[sflag:s21] =	ssyncadd.s32 $0xFFFFD800  }
0xeb: {  	s10 =	sor.u32 $0x10, s13;
	v0 =	vld [tilespmem:s30+$0x0]  }
0xec: {  	s6 =	sor.u32 s10, s1;
	v1 =	vld [tilespmem:s30+$0x80]  }
0xed: {  	v3 =	vld [tilespmem:s6+$0x0]  }
0xee: {  	v2 =	vld [tilespmem:s30+$0x100]  }
0xef: {  	s9 =	sor.u32 $0x20, s13;
	v4 =	vld [tilespmem:s6+$0x80]  }
0xf0: {  	s7 =	sor.u32 s9, s1;
	v5 =	vld [tilespmem:s30+$0x180]  }
0xf1: {  	v8 =	vld [tilespmem:s7+$0x0]  }
0xf2: {  	v6 =	vld [tilespmem:s30+$0x200]  }
0xf3: {  	v12 =	vld [tilespmem:s7+$0x80]  }
0xf4: {  	s12 =	sor.u32 s13, s1;
	v7 =	vld [tilespmem:s30+$0x280]  }
0xf5: {  	v14 =	vld [tilespmem:s12+$0x0]  }
0xf6: {  	v9 =	vld [tilespmem:s30+$0x300]  }
0xf7: {  	v15 =	vld [tilespmem:s12+$0x80]  }
0xf8: {  	s14 =	sadd.s32 $0x12D00, s29;
	v10 =	vld [tilespmem:s30+$0x380]  }
0xf9: {  	s31 =	sor.u32 s8, s14;
	v24 =	vld [tilespmem:s6+$0x100]  }
0xfa: {  	s15 =	sadd.s32 $0x12D80, s29;
	v32 =	vld [tilespmem:s31+$0x0]  }
0xfb: {  	s1 =	sor.u32 s8, s15;
	v34 =	vld [tilespmem:s7+$0x100]  }
0xfc: {  	s16 =	sadd.s32 $0x12E00, s29;
	v35 =	vld [tilespmem:s1+$0x0]  }
0xfd: {  	s2 =	sor.u32 s8, s16;
	v36 =	vld [tilespmem:s12+$0x100]  }
0xfe: {  	v37 =	vld [tilespmem:s2+$0x0]  }
0xff: {  	v38 =	vld [tilespmem:s6+$0x180]  }
0x100: {  	v40 =	vld [tilespmem:s7+$0x180]  }
0x101: {  	v42 =	vld [tilespmem:s12+$0x180]  }
0x102: {  	s0 =	sadd.s32 $0x13080, s29;
	v44 =	vld [tilespmem:s6+$0x200]  }
0x103: {  	s5 =	sor.u32 s8, s0;
	v46 =	vld [tilespmem:s7+$0x200]  }
0x104: {  	v47 =	vld [tilespmem:s5+$0x0]  }
0x105: {  	v48 =	vld [tilespmem:s12+$0x200]  }
0x106: {  	v49 =	vld [tilespmem:s6+$0x280]  }
0x107: {  	v50 =	vld [tilespmem:s7+$0x280]  }
0x108: {  	v33 =	vld [tilespmem:s12+$0x280]  }
0x109: {  	v31 =	vld [tilespmem:s6+$0x300]  }
0x10a: {  	v30 =	vld [tilespmem:s7+$0x300]  }
0x10b: {  	v29 =	vld [tilespmem:s12+$0x300]  }
0x10c: {  	v26 =	vld [tilespmem:s6+$0x380]  }
0x10d: {  	v27 =	vld [tilespmem:s7+$0x380]  }
0x10e: {  	s19 =	sor.u32 s10, s14;
	v28 =	vld [tilespmem:s12+$0x380]  }
0x10f: {  	s20 =	sor.u32 s9, s14;
	v22 =	vld [tilespmem:s19+$0x0]  }
0x110: {  	s21 =	sor.u32 s13, s14;
	v25 =	vld [tilespmem:s20+$0x0]  }
0x111: {  	s22 =	sor.u32 s10, s15;
	v23 =	vld [tilespmem:s21+$0x0];
	vm0 =	vgt.s32 v0, v1  }
0x112: {  	s23 =	sor.u32 s9, s15;
	v19 =	vld [tilespmem:s22+$0x0];
	v0 =	vsel vm0, v0, v1  }
0x113: {  	s24 =	sor.u32 s13, s15;
	v20 =	vld [tilespmem:s23+$0x0];
	vm0 =	vgt.s32 v0, v2  }
0x114: {  	s25 =	sor.u32 s10, s16;
	v21 =	vld [tilespmem:s24+$0x0];
	v0 =	vsel vm0, v0, v2  }
0x115: {  	s26 =	sor.u32 s9, s16;
	v18 =	vld [tilespmem:s25+$0x0];
	vm0 =	vgt.s32 v0, v5  }
0x116: {  	s3 =	sadd.s32 $0x12E80, s29;
	s28 =	sor.u32 s13, s16;
	v17 =	vld [tilespmem:s26+$0x0];
	v0 =	vsel vm0, v0, v5  }
0x117: {  	s1 =	sor.u32 s8, s3;
	v16 =	vld [tilespmem:s28+$0x0];
	vm0 =	vgt.s32 v0, v6  }
0x118: {  	s2 =	sadd.s32 $0x12F00, s29;
	s30 =	sor.u32 s9, s3;
	v39 =	vld [tilespmem:s1+$0x0];
	v0 =	vsel vm0, v0, v6  }
0x119: {  	s31 =	sor.u32 s8, s2;
	v11 =	vld [tilespmem:s30+$0x0];
	vm0 =	vgt.s32 v0, v7  }
0x11a: {  	s18 =	sadd.s32 $0x13000, s29;
	s1 =	sadd.s32 $0x12F80, s29;
	s29 =	sor.u32 s10, s3;
	v41 =	vld [tilespmem:s31+$0x0];
	v0 =	vsel vm0, v0, v7  }
0x11b: {  	s17 =	sor.u32 s8, s1;
	v13 =	vld [tilespmem:s29+$0x0];
	vm0 =	vgt.s32 v0, v9  }
0x11c: {  	v43 =	vld [tilespmem:s17+$0x0];
	s17 =	sor.u32 s8, s18;
	v0 =	vsel vm0, v0, v9  }
0x11d: {  	s7 =	sor.u32 s10, s1;
	v45 =	vld [tilespmem:s17+$0x0];
	vm0 =	vgt.s32 v0, v10  }
0x11e: {  	s4 =	sor.u32 s13, s3;
	s15 =	sor.u32 s9, s18;
	s12 =	sor.u32 s9, s1;
	v1 =	vld [tilespmem:s7+$0x0];
	v0 =	vsel vm0, v0, v10  }
0x11f: {  	s16 =	sor.u32 s10, s0;
	s14 =	sor.u32 s10, s18;
	s5 =	simm.s32 $0x200;
	v2 =	vld [tilespmem:s12+$0x0];
	vm0 =	vgt.s32 v0, v32  }
0x120: {  	s6 =	sor.u32 s9, s2;
	s3 =	sor.u32 s13, s2;
	s31 =	sor.u32 s10, s2;
	v5 =	vld [tilespmem:s15+$0x0];
	v0 =	vsel vm0, v0, v32  }
0x121: {  	s2 =	sor.u32 s13, s1;
	s1 =	sor.u32 s13, s18;
	v10 =	vld [tilespmem:s4+$0x0];
	s4 =	simm.s32 $0x40;
	vm0 =	vgt.s32 v0, v35  }
0x122: {  	s18 =	sand.u32 $0x1C00, s5;
	s17 =	sor.u32 s9, s0;
	v6 =	vld [tilespmem:s3+$0x0];
	s12 =	sand.u32 $0x40, s4;
	v0 =	vsel vm0, v0, v35  }
0x123: {  	v9 =	vld [tilespmem:s31+$0x0];
	s31 =	sor.u32 s13, s0;
	s0 =	sadd.s32 $0x11900, s18;
	s13 =	sor.u32 $0x10, s12;
	vm0 =	vgt.s32 v3, v4;
	vm1 =	vgt.s32 v0, v37  }
0x124: {  	v7 =	vld [tilespmem:s6+$0x0];
	s7 =	sor.u32 s13, s0;
	v60 =	vsel vm0, v3, v4;
	vm0 =	vgt.s32 v8, v12;
	v0 =	vsel vm1, v0, v37  }
0x125: {  	v52 =	vld [tilespmem:s7+$0x0];
	v12 =	vsel vm0, v8, v12;
	vm0 =	vgt.s32 v14, v15;
	vm1 =	vgt.s32 v0, v39  }
0x126: {  	v55 =	vld [tilespmem:s7+$0x80];
	v14 =	vsel vm0, v14, v15;
	vm0 =	vgt.s32 v60, v24;
	v0 =	vsel vm1, v0, v39  }
0x127: {  	v3 =	vld [tilespmem:s2+$0x0];
	v61 =	vsel vm0, v60, v24;
	vm0 =	vgt.s32 v12, v34;
	vm1 =	vgt.s32 v0, v41  }
0x128: {  	v4 =	vld [tilespmem:s14+$0x0];
	v62 =	vsel vm0, v12, v34;
	vm0 =	vgt.s32 v14, v36;
	v0 =	vsel vm1, v0, v41  }
0x129: {  	s14 =	sor.u32 $0x30, s12;
	v8 =	vld [tilespmem:s1+$0x0];
	v63 =	vsel vm0, v14, v36;
	vm0 =	vgt.s32 v61, v38;
	vm1 =	vgt.s32 v0, v43  }
0x12a: {  	s6 =	sor.u32 s14, s0;
	v15 =	vld [tilespmem:s31+$0x0];
	v41 =	vsel vm0, v61, v38;
	vm0 =	vgt.s32 v62, v40;
	v0 =	vsel vm1, v0, v43  }
0x12b: {  	v51 =	vld [tilespmem:s6+$0x80];
	v43 =	vsel vm0, v62, v40;
	vm0 =	vgt.s32 v63, v42;
	vm1 =	vgt.s32 v0, v45  }
0x12c: {  	v53 =	vld [tilespmem:s6+$0x100];
	v32 =	vsel vm0, v63, v42;
	vm0 =	vgt.s32 v41, v44;
	v0 =	vsel vm1, v0, v45  }
0x12d: {  	v56 =	vld [tilespmem:s6+$0x180];
	v34 =	vsel vm0, v41, v44;
	vm0 =	vgt.s32 v43, v46;
	vm1 =	vgt.s32 v0, v47  }
0x12e: {  	v57 =	vld [tilespmem:s6+$0x200];
	v35 =	vsel vm0, v43, v46;
	vm0 =	vgt.s32 v32, v48;
	v0 =	vsel vm1, v0, v47  }
0x12f: {  	s20 =	sadd.s32 $0x12E80, s18;
	v58 =	vld [tilespmem:s6+$0x280];
	v54 =	vsel vm0, v32, v48;
	vm0 =	vgt.s32 v34, v49;
	vm1 =	vgt.s32 v35, v50  }
0x130: {  	s28 =	sor.u32 s14, s20;
	v59 =	vld [tilespmem:s6+$0x300];
	v34 =	vsel vm0, v34, v49;
	vm0 =	vgt.s32 v54, v33;
	v35 =	vsel vm1, v35, v50  }
0x131: {  	v37 =	vld [tilespmem:s28+$0x0];
	v33 =	vsel vm0, v54, v33;
	vm0 =	vgt.s32 v34, v31;
	vm1 =	vgt.s32 v35, v30  }
0x132: {  	v60 =	vld [tilespmem:s6+$0x380];
	v31 =	vsel vm0, v34, v31;
	vm0 =	vgt.s32 v33, v29;
	v30 =	vsel vm1, v35, v30  }
0x133: {  	v12 =	vld [tilespmem:s16+$0x0];
	v29 =	vsel vm0, v33, v29;
	vm0 =	vgt.s32 v31, v26;
	vm1 =	vgt.s32 v30, v27  }
0x134: {  	v36 =	vld [tilespmem:s6+$0x0];
	v26 =	vsel vm0, v31, v26;
	vm0 =	vgt.s32 v29, v28;
	v27 =	vsel vm1, v30, v27  }
0x135: {  	s23 =	sadd.s32 $0x12D00, s18;
	v14 =	vld [tilespmem:s17+$0x0];
	v28 =	vsel vm0, v29, v28;
	vm0 =	vgt.s32 v26, v22;
	vm1 =	vgt.s32 v27, v25  }
0x136: {  	s22 =	sadd.s32 $0x12D80, s18;
	s24 =	sor.u32 s14, s23;
	v61 =	vld [tilespmem:s7+$0x100];
	v22 =	vsel vm0, v26, v22;
	vm0 =	vgt.s32 v28, v23;
	v25 =	vsel vm1, v27, v25  }
0x137: {  	s25 =	sor.u32 s14, s22;
	s17 =	sadd.s32 $0x12F80, s18;
	v62 =	vld [tilespmem:s24+$0x0];
	v23 =	vsel vm0, v28, v23;
	vm0 =	vgt.s32 v22, v19;
	vm1 =	vgt.s32 v25, v20  }
0x138: {  	s19 =	sadd.s32 $0x12F00, s18;
	s30 =	sor.u32 s14, s17;
	v63 =	vld [tilespmem:s25+$0x0];
	v19 =	vsel vm0, v22, v19;
	vm0 =	vgt.s32 v23, v21;
	v20 =	vsel vm1, v25, v20  }
0x139: {  	s15 =	sadd.s32 $0x13000, s18;
	s29 =	sor.u32 s14, s19;
	v42 =	vld [tilespmem:s30+$0x0];
	vm1 =	vgt.s32 v36, v51;
	v21 =	vsel vm0, v23, v21;
	vm0 =	vgt.s32 v19, v18  }
0x13a: {  	s31 =	sor.u32 s14, s15;
	v41 =	vld [tilespmem:s29+$0x0];
	v36 =	vsel vm1, v36, v51;
	v18 =	vsel vm0, v19, v18;
	vm0 =	vgt.s32 v20, v17  }
0x13b: {  	s16 =	sadd.s32 $0x13080, s18;
	v45 =	vld [tilespmem:s31+$0x0];
	vm1 =	vgt.s32 v21, v16;
	v17 =	vsel vm0, v20, v17;
	vm0 =	vgt.s32 v36, v53  }
0x13c: {  	s1 =	sor.u32 s14, s16;
	v43 =	vld [tilespmem:s7+$0x200];
	v16 =	vsel vm1, v21, v16;
	vm1 =	vgt.s32 v18, v13;
	v19 =	vsel vm0, v36, v53  }
0x13d: {  	v46 =	vld [tilespmem:s1+$0x0];
	v13 =	vsel vm1, v18, v13;
	vm0 =	vgt.s32 v17, v11;
	vm1 =	vgt.s32 v19, v56  }
0x13e: {  	s21 =	sadd.s32 $0x12E00, s18;
	s18 =	sor.u32 $0x20, s12;
	v48 =	vld [tilespmem:s7+$0x280];
	v11 =	vsel vm0, v17, v11;
	vm0 =	vgt.s32 v16, v10;
	v44 =	vsel vm1, v19, v56  }
0x13f: {  	s3 =	sor.u32 s18, s0;
	v49 =	vld [tilespmem:s7+$0x380];
	v10 =	vsel vm0, v16, v10;
	vm0 =	vgt.s32 v13, v9;
	vm1 =	vgt.s32 v44, v57  }
0x140: {  	v50 =	vld [tilespmem:s3+$0x180];
	v9 =	vsel vm0, v13, v9;
	vm0 =	vgt.s32 v11, v7;
	v47 =	vsel vm1, v44, v57  }
0x141: {  	v54 =	vld [tilespmem:s3+$0x380];
	vm1 =	vgt.s32 v10, v6;
	v7 =	vsel vm0, v11, v7;
	vm0 =	vgt.s32 v47, v58  }
0x142: {  	s26 =	sor.u32 s14, s21;
	v35 =	vld [tilespmem:s7+$0x180];
	v6 =	vsel vm1, v10, v6;
	vm1 =	vgt.s32 v9, v1;
	v10 =	vsel vm0, v47, v58  }
0x143: {  	v31 =	vld [tilespmem:s26+$0x0];
	v1 =	vsel vm1, v9, v1;
	vm0 =	vgt.s32 v7, v2;
	vm1 =	vgt.s32 v10, v59  }
0x144: {  	v51 =	vld [tilespmem:s3+$0x200];
	v2 =	vsel vm0, v7, v2;
	vm0 =	vgt.s32 v6, v3;
	v7 =	vsel vm1, v10, v59  }
0x145: {  	v9 =	vld [tilespmem:s3+$0x0];
	v3 =	vsel vm0, v6, v3;
	vm0 =	vgt.s32 v1, v4;
	vm1 =	vgt.s32 v7, v60  }
0x146: {  	s0 =	sor.u32 s12, s0;
	v10 =	vld [tilespmem:s3+$0x80];
	v1 =	vsel vm0, v1, v4;
	vm0 =	vgt.s32 v2, v5;
	v4 =	vsel vm1, v7, v60  }
0x147: {  	v6 =	vld [tilespmem:s0+$0x0];
	vm1 =	vgt.s32 v3, v8;
	v2 =	vsel vm0, v2, v5;
	vm0 =	vgt.s32 v4, v62  }
0x148: {  	v7 =	vld [tilespmem:s0+$0x80];
	v3 =	vsel vm1, v3, v8;
	vm1 =	vgt.s32 v1, v12;
	v4 =	vsel vm0, v4, v62  }
0x149: {  	v53 =	vld [tilespmem:s3+$0x300];
	v12 =	vsel vm1, v1, v12;
	vm0 =	vgt.s32 v2, v14;
	vm1 =	vgt.s32 v4, v63  }
0x14a: {  	v5 =	vld [tilespmem:s3+$0x100];
	v2 =	vsel vm0, v2, v14;
	vm0 =	vgt.s32 v3, v15;
	v4 =	vsel vm1, v4, v63  }
0x14b: {  	v8 =	vld [tilespmem:s0+$0x100];
	v1 =	vsel vm0, v3, v15;
	vm0 =	vgt.s32 v52, v55;
	vm1 =	vgt.s32 v4, v31  }
0x14c: {  	v56 =	vld [tilespmem:s0+$0x380];
	v52 =	vsel vm0, v52, v55;
	vm0 =	vgt.s32 v9, v10;
	v4 =	vsel vm1, v4, v31  }
0x14d: {  	v11 =	vld [tilespmem:s7+$0x300];
	v9 =	vsel vm0, v9, v10;
	vm0 =	vgt.s32 v6, v7;
	vm1 =	vgt.s32 v4, v37  }
0x14e: {  	s6 =	sor.u32 s13, s23;
	v6 =	vsel vm0, v6, v7;
	vm0 =	vgt.s32 v52, v61;
	v7 =	vld [tilespmem:s0+$0x180];
	v4 =	vsel vm1, v4, v37  }
0x14f: {  	v57 =	vld [tilespmem:s6+$0x0];
	s7 =	sor.u32 s18, s23;
	v10 =	vsel vm0, v52, v61;
	vm0 =	vgt.s32 v9, v5;
	vm1 =	vgt.s32 v4, v41  }
0x150: {  	v58 =	vld [tilespmem:s7+$0x0];
	v5 =	vsel vm0, v9, v5;
	vm0 =	vgt.s32 v6, v8;
	v4 =	vsel vm1, v4, v41  }
0x151: {  	v55 =	vld [tilespmem:s0+$0x200];
	v6 =	vsel vm0, v6, v8;
	vm0 =	vgt.s32 v10, v35;
	vm1 =	vgt.s32 v4, v42  }
0x152: {  	v3 =	vld [tilespmem:s3+$0x280];
	v10 =	vsel vm0, v10, v35;
	vm0 =	vgt.s32 v5, v50;
	v4 =	vsel vm1, v4, v42  }
0x153: {  	s25 =	sor.u32 s13, s22;
	v9 =	vld [tilespmem:s0+$0x280];
	v5 =	vsel vm0, v5, v50;
	vm0 =	vgt.s32 v6, v7;
	vm1 =	vgt.s32 v4, v45  }
0x154: {  	v59 =	vld [tilespmem:s25+$0x0];
	v6 =	vsel vm0, v6, v7;
	vm0 =	vgt.s32 v10, v43;
	v4 =	vsel vm1, v4, v45  }
0x155: {  	s28 =	sor.u32 s12, s22;
	v8 =	vld [tilespmem:s0+$0x300];
	v7 =	vsel vm0, v10, v43;
	vm0 =	vgt.s32 v5, v51;
	vm1 =	vgt.s32 v4, v46  }
0x156: {  	s6 =	sor.u32 s13, s19;
	v60 =	vld [tilespmem:s28+$0x0];
	v5 =	vsel vm0, v5, v51;
	vm0 =	vgt.s32 v6, v55;
	v16 =	vsel vm1, v4, v46  }
0x157: {  	s2 =	sor.u32 s18, s20;
	v63 =	vld [tilespmem:s6+$0x0];
	v6 =	vsel vm0, v6, v55;
	vm0 =	vgt.s32 v7, v48;
	vm1 =	vgt.s32 v5, v3  }
0x158: {  	s24 =	sor.u32 s12, s23;
	v61 =	vld [tilespmem:s2+$0x0];
	v7 =	vsel vm0, v7, v48;
	vm0 =	vgt.s32 v6, v9;
	v3 =	vsel vm1, v5, v3  }
0x159: {  	s26 =	sor.u32 s18, s22;
	v10 =	vld [tilespmem:s24+$0x0];
	v6 =	vsel vm0, v6, v9;
	vm0 =	vgt.s32 v7, v11;
	vm1 =	vgt.s32 v3, v53  }
0x15a: {  	s29 =	sor.u32 s13, s21;
	v4 =	vld [tilespmem:s26+$0x0];
	v7 =	vsel vm0, v7, v11;
	v3 =	vsel vm1, v3, v53;
	vm0 =	vgt.s32 v6, v8  }
0x15b: {  	s30 =	sor.u32 s18, s21;
	v5 =	vld [tilespmem:s29+$0x0];
	v6 =	vsel vm0, v6, v8;
	vm0 =	vgt.s32 v7, v49;
	vm1 =	vgt.s32 v3, v54  }
0x15c: {  	s31 =	sor.u32 s12, s21;
	v9 =	vld [tilespmem:s30+$0x0];
	v7 =	vsel vm0, v7, v49;
	v3 =	vsel vm1, v3, v54;
	vm0 =	vgt.s32 v6, v56  }
0x15d: {  	s1 =	sor.u32 s13, s20;
	v8 =	vld [tilespmem:s31+$0x0];
	v6 =	vsel vm0, v6, v56;
	vm0 =	vgt.s32 v7, v57;
	vm1 =	vgt.s32 v3, v58  }
0x15e: {  	s3 =	sor.u32 s12, s20;
	v11 =	vld [tilespmem:s1+$0x0];
	v7 =	vsel vm0, v7, v57;
	vm0 =	vgt.s32 v6, v10;
	v3 =	vsel vm1, v3, v58  }
0x15f: {  	s7 =	sand.u32 $0x380, s11;
	s11 =	sor.u32 s18, s19;
	v62 =	vld [tilespmem:s3+$0x0];
	v6 =	vsel vm0, v6, v10;
	vm0 =	vgt.s32 v7, v59;
	vm1 =	vgt.s32 v3, v4  }
0x160: {  	s21 =	sor.u32 s12, s19;
	s20 =	sadd.s32 $0x14100, s7;
	v10 =	vld [tilespmem:s11+$0x0];
	v7 =	vsel vm0, v7, v59;
	v4 =	vsel vm1, v3, v4;
	vm0 =	vgt.s32 v6, v60  }
0x161: {  	s19 =	sor.u32 s18, s16;
	s25 =	sor.u32 s18, s17;
	s23 =	sor.u32 s8, s20;
	v3 =	vld [tilespmem:s21+$0x0];
	v6 =	vsel vm0, v6, v60;
	vm0 =	vgt.s32 v7, v5;
	vm1 =	vgt.s32 v4, v9  }
0x162: {  	s28 =	sor.u32 s12, s17;
	s22 =	sor.u32 s10, s20;
	[tilespmem:s23+$0x0] =	vst v0;
	v0 =	vld [tilespmem:s25+$0x0];
	s0 =	sor.u32 s9, s20;
	v5 =	vsel vm0, v7, v5;
	v7 =	vsel vm1, v4, v9;
	vm0 =	vgt.s32 v6, v8  }
0x163: {  	s8 =	simm.s32 $0x14100;
	[tilespmem:s0+$0x0] =	vst v2;
	v2 =	vld [tilespmem:s28+$0x0];
	s24 =	sor.u32 s13, s17;
	s26 =	sand.u32 $0x380, s4;
	v6 =	vsel vm0, v6, v8;
	vm0 =	vgt.s32 v5, v11;
	vm1 =	vgt.s32 v7, v61  }
0x164: {  	[tilespmem:s22+$0x0] =	vst v12;
	s20 =	sor.u32 s13, s16;
	s29 =	sor.u32 s13, s15;
	s1 =	sadd.s32 $0x14100, s26;
	v4 =	vld [tilespmem:s24+$0x0];
	v8 =	vsel vm0, v5, v11;
	v9 =	vsel vm1, v7, v61;
	vm0 =	vgt.s32 v6, v62  }
0x165: {  	[tilespmem:s8+$0x0] =	vst v1;
	s17 =	sor.u32 s12, s16;
	s30 =	sor.u32 s18, s15;
	s31 =	sor.u32 s14, s1;
	v5 =	vld [tilespmem:s29+$0x0];
	v7 =	vsel vm0, v6, v62;
	vm0 =	vgt.s32 v8, v63;
	vm1 =	vgt.s32 v9, v10  }
0x166: {  	s16 =	sor.u32 s13, s1;
	[tilespmem:s31+$0x0] =	vst v16;
	s21 =	sor.u32 s12, s15;
	s15 =	sor.u32 s18, s1;
	v6 =	vld [tilespmem:s30+$0x0];
	v8 =	vsel vm0, v8, v63;
	vm0 =	vgt.s32 v7, v3;
	v1 =	vsel vm1, v9, v10  }
.LBB2_9:
0x167: {  	s4 =	sadd.s32 $0x40, s4;
	s5 =	sadd.s32 $0x200, s5  }
0x168: {  	s18 =	sand.u32 $0x40, s4;
	s22 =	sand.u32 $0x1C00, s5  }
0x169: {  	s0 =	sadd.s32 $0x11900, s22;
	s12 =	sor.u32 $0x30, s18  }
0x16a: {  	v3 =	vsel vm0, v7, v3;
	v7 =	vld [tilespmem:s21+$0x0];
	s1 =	sor.u32 s12, s0  }
0x16b: {  	vm0 =	vgt.s32 v8, v4;
	v9 =	vld [tilespmem:s1+$0x0]  }
0x16c: {  	vm1 =	vgt.s32 v3, v2;
	v4 =	vsel vm0, v8, v4;
	v8 =	vld [tilespmem:s20+$0x0]  }
0x16d: {  	vm0 =	vgt.s32 v1, v0;
	v2 =	vsel vm1, v3, v2;
	v3 =	vld [tilespmem:s17+$0x0]  }
0x16e: {  	v0 =	vsel vm0, v1, v0;
	v1 =	vld [tilespmem:s19+$0x0];
	vm0 =	vgt.s32 v4, v5  }
0x16f: {  	s13 =	sor.u32 $0x10, s18;
	vm1 =	vgt.s32 v2, v7;
	v4 =	vsel vm0, v4, v5;
	v5 =	vld [tilespmem:s1+$0x80]  }
0x170: {  	s10 =	sor.u32 s13, s0;
	vm0 =	vgt.s32 v0, v6;
	v2 =	vsel vm1, v2, v7;
	v7 =	vld [tilespmem:s1+$0x100]  }
0x171: {  	v0 =	vsel vm0, v0, v6;
	v6 =	vld [tilespmem:s10+$0x0];
	vm0 =	vgt.s32 v4, v8  }
0x172: {  	vm1 =	vgt.s32 v2, v3;
	v4 =	vsel vm0, v4, v8;
	v8 =	vld [tilespmem:s10+$0x80]  }
0x173: {  	s8 =	sadd.s32 $0x40, s8;
	vm0 =	vgt.s32 v0, v1;
	v2 =	vsel vm1, v2, v3;
	v3 =	vld [tilespmem:s1+$0x200]  }
0x174: {  	s14 =	sor.u32 $0x20, s18;
	v0 =	vsel vm0, v0, v1;
	v1 =	vld [tilespmem:s1+$0x180];
	vm0 =	vgt.s32 v9, v5;
	[tilespmem:s8+$0x0] =	vst v2  }
0x175: {  	s11 =	sor.u32 s14, s0;
	[tilespmem:s15+$0x0] =	vst v0;
	v2 =	vsel vm0, v9, v5;
	v5 =	vld [tilespmem:s1+$0x280]  }
0x176: {  	v0 =	vld [tilespmem:s11+$0x0]  }
0x177: {  	s9 =	sor.u32 s18, s0;
	[tilespmem:s16+$0x0] =	vst v4;
	v4 =	vld [tilespmem:s11+$0x80];
	vm0 =	vgt.s32 v2, v7  }
0x178: {  	v2 =	vsel vm0, v2, v7;
	v7 =	vld [tilespmem:s9+$0x0];
	vm1 =	vgt.s32 v6, v8  }
0x179: {  	v6 =	vsel vm1, v6, v8;
	vm0 =	vgt.s32 v2, v1;
	v8 =	vld [tilespmem:s9+$0x80]  }
0x17a: {  	v1 =	vsel vm0, v2, v1;
	v2 =	vld [tilespmem:s1+$0x300]  }
0x17b: {  	s20 =	sadd.s32 $0x12D00, s22;
	v9 =	vld [tilespmem:s10+$0x100];
	vm0 =	vgt.s32 v1, v3  }
0x17c: {  	s23 =	sor.u32 s12, s20;
	vm1 =	vgt.s32 v0, v4;
	v1 =	vsel vm0, v1, v3;
	v3 =	vld [tilespmem:s1+$0x380]  }
0x17d: {  	v0 =	vsel vm1, v0, v4;
	v4 =	vld [tilespmem:s23+$0x0];
	vm0 =	vgt.s32 v1, v5  }
0x17e: {  	s24 =	sadd.s32 $0x12D80, s22;
	v1 =	vsel vm0, v1, v5;
	v5 =	vld [tilespmem:s11+$0x100];
	vm1 =	vgt.s32 v7, v8  }
0x17f: {  	s29 =	sor.u32 s12, s24;
	vm0 =	vgt.s32 v1, v2;
	v7 =	vsel vm1, v7, v8;
	v8 =	vld [tilespmem:s9+$0x100]  }
0x180: {  	s30 =	sadd.s32 $0x12E00, s22;
	vm1 =	vgt.s32 v6, v9;
	v1 =	vsel vm0, v1, v2;
	v2 =	vld [tilespmem:s29+$0x0]  }
0x181: {  	s2 =	sor.u32 s12, s30;
	v6 =	vsel vm1, v6, v9;
	v9 =	vld [tilespmem:s10+$0x180];
	vm0 =	vgt.s32 v1, v3  }
0x182: {  	s3 =	sadd.s32 $0x12E80, s22;
	v1 =	vsel vm0, v1, v3;
	v3 =	vld [tilespmem:s2+$0x0]  }
0x183: {  	s25 =	sor.u32 s14, s24;
	s31 =	sor.u32 s14, s30;
	s6 =	sor.u32 s12, s3;
	v10 =	vld [tilespmem:s10+$0x280];
	vm0 =	vgt.s32 v1, v4  }
0x184: {  	s7 =	sor.u32 s13, s30;
	[dreg:$0x9] =	wrdreg s31;
	s31 =	sor.u32 s18, s3;
	vm1 =	vgt.s32 v0, v5;
	v1 =	vsel vm0, v1, v4;
	v4 =	vld [tilespmem:s6+$0x0]  }
0x185: {  	s17 =	sadd.s32 $0x12F80, s22;
	s0 =	sor.u32 s18, s20;
	s15 =	sadd.s32 $0x12F00, s22;
	v0 =	vsel vm1, v0, v5;
	v5 =	vld [tilespmem:s11+$0x180];
	vm1 =	vgt.s32 v7, v8;
	vm0 =	vgt.s32 v1, v2  }
0x186: {  	[dreg:$0xc] =	wrdreg s0;
	s0 =	sor.u32 s18, s24;
	s16 =	sor.u32 s12, s15;
	v7 =	vsel vm1, v7, v8;
	v8 =	vld [tilespmem:s9+$0x180];
	v1 =	vsel vm0, v1, v2  }
0x187: {  	s19 =	sadd.s32 $0x13000, s22;
	[dreg:$0xd] =	wrdreg s0;
	s0 =	sor.u32 s18, s30;
	vm1 =	vgt.s32 v6, v9;
	v2 =	vld [tilespmem:s16+$0x0];
	vm0 =	vgt.s32 v1, v3  }
0x188: {  	s30 =	sor.u32 s14, s3;
	s2 =	sor.u32 s13, s3;
	s3 =	sor.u32 s12, s17;
	v6 =	vsel vm1, v6, v9;
	v9 =	vld [tilespmem:s10+$0x200];
	v1 =	vsel vm0, v1, v3  }
0x189: {  	s26 =	sor.u32 s13, s20;
	s21 =	sor.u32 s14, s20;
	s20 =	sor.u32 s12, s19;
	v3 =	vld [tilespmem:s3+$0x0];
	vm0 =	vgt.s32 v1, v4  }
0x18a: {  	[dreg:$0x6] =	wrdreg s25;
	s25 =	sor.u32 s14, s17;
	vm1 =	vgt.s32 v0, v5;
	v1 =	vsel vm0, v1, v4;
	v4 =	vld [tilespmem:s20+$0x0]  }
0x18b: {  	s1 =	sor.u32 s13, s17;
	s6 =	sor.u32 s18, s17;
	s17 =	sadd.s32 $0x13080, s22;
	v0 =	vsel vm1, v0, v5;
	v5 =	vld [tilespmem:s11+$0x200];
	vm1 =	vgt.s32 v7, v8  }
0x18c: {  	s22 =	sor.u32 s12, s17;
	vm0 =	vgt.s32 v1, v2;
	v7 =	vsel vm1, v7, v8;
	v8 =	vld [tilespmem:s9+$0x200]  }
0x18d: {  	s29 =	sor.u32 s14, s15;
	v1 =	vsel vm0, v1, v2;
	v2 =	vld [tilespmem:s22+$0x0]  }
0x18e: {  	s28 =	sor.u32 s13, s24;
	[dreg:$0x8] =	wrdreg s21;
	v11 =	vld [tilespmem:s29+$0x0];
	vm1 =	vgt.s32 v6, v9;
	vm0 =	vgt.s32 v1, v3  }
0x18f: {  	s21 =	sor.u32 s18, s19;
	[dreg:$0xe] =	wrdreg s0;
	s0 =	sor.u32 s13, s19;
	v1 =	vsel vm0, v1, v3;
	v3 =	vsel vm1, v6, v9;
	v6 =	vld [tilespmem:s11+$0x280]  }
0x190: {  	s24 =	sor.u32 s18, s15;
	s3 =	sor.u32 s14, s19;
	s19 =	sor.u32 s14, s17;
	v9 =	vld [tilespmem:s9+$0x280];
	vm0 =	vgt.s32 v1, v4  }
0x191: {  	s20 =	sor.u32 s13, s17;
	s17 =	sor.u32 s18, s17;
	s18 =	sand.u32 $0x380, s4;
	vm1 =	vgt.s32 v0, v5;
	v1 =	vsel vm0, v1, v4;
	v4 =	vld [tilespmem:s10+$0x300]  }
0x192: {  	s22 =	sadd.s32 $0x14100, s18;
	v0 =	vsel vm1, v0, v5;
	vm1 =	vgt.s32 v7, v8;
	v5 =	vld [tilespmem:s11+$0x300];
	vm0 =	vgt.s32 v1, v2  }
0x193: {  	s12 =	sor.u32 s12, s22;
	v1 =	vsel vm0, v1, v2;
	v2 =	vsel vm1, v7, v8;
	v7 =	vld [tilespmem:s9+$0x300];
	vm0 =	vgt.s32 v3, v10  }
0x194: {  	[tilespmem:s12+$0x0] =	vst v1;
	v1 =	vsel vm0, v3, v10;
	v3 =	vld [tilespmem:s10+$0x380];
	vm0 =	vgt.s32 v0, v6  }
0x195: {  	v0 =	vsel vm0, v0, v6;
	v6 =	vld [tilespmem:s11+$0x380]  }
0x196: {  	v8 =	vld [tilespmem:s9+$0x380];
	vm1 =	vgt.s32 v2, v9;
	vm0 =	vgt.s32 v1, v4  }
0x197: {  	s23 =	sor.u32 s13, s15;
	s16 =	sor.u32 s13, s22;
	s13 =	rddreg [dreg:$0x8];
	v2 =	vsel vm1, v2, v9;
	v1 =	vsel vm0, v1, v4;
	v4 =	vld [tilespmem:s26+$0x0];
	vm0 =	vgt.s32 v0, v5  }
0x198: {  	s15 =	sor.u32 s14, s22;
	s14 =	rddreg [dreg:$0xc];
	vm1 =	vgt.s32 v2, v7;
	v0 =	vsel vm0, v0, v5;
	v5 =	vld [tilespmem:s13+$0x0]  }
0x199: {  	v2 =	vsel vm1, v2, v7;
	v7 =	vld [tilespmem:s14+$0x0];
	vm0 =	vgt.s32 v1, v3  }
0x19a: {  	s18 =	rddreg [dreg:$0x6];
	v1 =	vsel vm0, v1, v3;
	v3 =	vld [tilespmem:s28+$0x0];
	vm0 =	vgt.s32 v0, v6  }
0x19b: {  	s22 =	rddreg [dreg:$0xd];
	vm1 =	vgt.s32 v2, v8;
	v0 =	vsel vm0, v0, v6;
	v6 =	vld [tilespmem:s18+$0x0]  }
0x19c: {  	v2 =	vsel vm1, v2, v8;
	v8 =	vld [tilespmem:s22+$0x0]  }
0x19d: {  	v9 =	vld [tilespmem:s2+$0x0];
	vm0 =	vgt.s32 v1, v4  }
0x19e: {  	s26 =	rddreg [dreg:$0x9];
	v1 =	vsel vm0, v1, v4;
	v4 =	vld [tilespmem:s7+$0x0];
	vm0 =	vgt.s32 v0, v5  }
0x19f: {  	s28 =	rddreg [dreg:$0xe];
	vm1 =	vgt.s32 v2, v7;
	v0 =	vsel vm0, v0, v5;
	v5 =	vld [tilespmem:s26+$0x0];
	vm0 =	vgt.s32 v1, v3  }
0x1a0: {  	v2 =	vsel vm1, v2, v7;
	v7 =	vld [tilespmem:s28+$0x0];
	v1 =	vsel vm0, v1, v3;
	vm0 =	vgt.s32 v0, v6  }
0x1a1: {  	vm1 =	vgt.s32 v2, v8;
	v0 =	vsel vm0, v0, v6;
	v6 =	vld [tilespmem:s30+$0x0]  }
0x1a2: {  	v2 =	vsel vm1, v2, v8;
	v8 =	vld [tilespmem:s31+$0x0]  }
0x1a3: {  	v10 =	vld [tilespmem:s23+$0x0];
	vm0 =	vgt.s32 v1, v4  }
0x1a4: {  	p0 =	slt.u32 s4, $0x240;
	v3 =	vld [tilespmem:s24+$0x0];
	v1 =	vsel vm0, v1, v4;
	vm0 =	vgt.s32 v0, v5  }
.Ltmp4:
0x1a5: {  	v4 =	vld [tilespmem:s1+$0x0];
	vm1 =	vgt.s32 v2, v7;
	v0 =	vsel vm0, v0, v5;
	vm0 =	vgt.s32 v1, v9;
	(pc) =	sbr.rel @p0 .LBB2_9-.Ltmp4, $4  }
0x1a6: {  	v5 =	vld [tilespmem:s0+$0x0];
	v2 =	vsel vm1, v2, v7;
	v1 =	vsel vm0, v1, v9;
	vm0 =	vgt.s32 v0, v6  }
0x1a7: {  	vm1 =	vgt.s32 v2, v8;
	v6 =	vsel vm0, v0, v6;
	v0 =	vld [tilespmem:s25+$0x0]  }
0x1a8: {  	v7 =	vsel vm1, v2, v8;
	v2 =	vld [tilespmem:s6+$0x0];
	vm0 =	vgt.s32 v1, v10;
	vm1 =	vgt.s32 v6, v11  }
0x1a9: {  	v8 =	vsel vm0, v1, v10;
	vm0 =	vgt.s32 v7, v3;
	v1 =	vsel vm1, v6, v11;
	v6 =	vld [tilespmem:s3+$0x0]  }
0x1aa: {  	v9 =	vld [tilespmem:s21+$0x0]  }
0x1ab: {  	v10 =	vld [tilespmem:s20+$0x0]  }
0x1ac: {  	vm1 =	vgt.s32 v8, v4;
	v11 =	vld [tilespmem:s19+$0x0]  }
0x1ad: {  	v3 =	vsel vm0, v7, v3;
	v7 =	vld [tilespmem:s17+$0x0];
	v4 =	vsel vm1, v8, v4;
	vm0 =	vgt.s32 v1, v0  }
0x1ae: {  	vm1 =	vgt.s32 v3, v2;
	v0 =	vsel vm0, v1, v0;
	vm0 =	vgt.s32 v4, v5  }
0x1af: {  	v1 =	vsel vm1, v3, v2;
	v2 =	vsel vm0, v4, v5;
	vm0 =	vgt.s32 v0, v6  }
0x1b0: {  	vm1 =	vgt.s32 v1, v9;
	v0 =	vsel vm0, v0, v6;
	vm0 =	vgt.s32 v2, v10  }
0x1b1: {  	v1 =	vsel vm1, v1, v9;
	v2 =	vsel vm0, v2, v10;
	vm0 =	vgt.s32 v0, v11  }
0x1b2: {  	s0 =	stileid.u32;
	vm1 =	vgt.s32 v1, v7;
	[tilespmem:s16+$0x0] =	vst v2;
	v0 =	vsel vm0, v0, v11  }
0x1b3: {  	s26 =	sadd.s32 $0x40, s8;
	s1 =	smul.u32 $0x280, s0;
	v1 =	vsel vm1, v1, v7;
	[tilespmem:s15+$0x0] =	vst v0  }
0x1b4: {  	s2 =	rddreg [dreg:$0x4];
	s29 =	simm.s32 $0x14100;
	[tilespmem:s26+$0x0] =	vst v1  }
0x1b5: {  	s30 =	simm.s32 $0x4;
	s28 =	sadd.s32 s1, s2;
	[dreg:$0x12] =	wrdreg s1  }
0x1b6: {  	[spmem:s28] =	stream.linear.scatter [tilespmem:s29], [sflag:$0x4], $0x280, $0x38;
	[tilespmem:$0x17580] =	vst v63  }
0x1b7: {  	_ =	swait.ge [sflag:s30], $0x280  }
0x1b8: {  	[sflag:s30] =	ssyncset.done $0x0  }
0x1b9: {  	[sflag:s30] =	ssyncadd.s32 $0xFFFFFD80  }
0x1ba: {  	s0 =	simm.s32 $0xC500;
	[bflag:$0x0] =	sbarrier.arrive $0xFFFF  }
0x1bb: {  	[tilespmem:s0], [sflag:$0x4] =	stream.linear.gather [spmem:s2], $0x2800, $0x38;
	[tilespmem:$0x17580] =	vst v63  }
0x1bc: {  	_ =	swait.ge [sflag:s30], $0x2800  }
0x1bd: {  	[sflag:s30] =	ssyncset.done $0x0  }
0x1be: {  	s31 =	simm.s32 $0x40;
	[sflag:s30] =	ssyncadd.s32 $0xFFFFD800  }
0x1bf: {  	v0 =	vld [tilespmem:s31+$0x30]  }
0x1c0: {  	v1 =	vld [tilespmem:s31+$0xFFFFFFD0]  }
0x1c1: {  	v2 =	vld [tilespmem:s31+$0xFFFFFFE0]  }
0x1c2: {  	v3 =	vld [tilespmem:s31+$0xFFFFFFF0]  }
0x1c3: {  	v4 =	vld [tilespmem:s31+$0x0]  }
0x1c4: {  	v5 =	vld [tilespmem:s31+$0x10]  }
0x1c5: {  	v6 =	vld [tilespmem:s31+$0x20]  }
0x1c6: {  	s1 =	simm.s32 $0x4EC0;
	v7 =	vld [tilespmem:s31+$0xFFFFFFC0]  }
0x1c7: {  	v63 =	vld [tilespmem:s1+$0x30]  }
0x1c8: {  	v0 =	vld.idx.msk [tilespmem:v0+s0+$0x0], $0xffff  }
0x1c9: {  	v8 =	vld.idx.msk [tilespmem:v1+s0+$0x0], $0xffff  }
0x1ca: {  	v61 =	vld.idx.msk [tilespmem:v2+s0+$0x0], $0xffff  }
0x1cb: {  	v62 =	vld.idx.msk [tilespmem:v3+s0+$0x0], $0xffff  }
0x1cc: {  	v12 =	vld.idx.msk [tilespmem:v4+s0+$0x0], $0xffff  }
0x1cd: {  	v13 =	vld.idx.msk [tilespmem:v5+s0+$0x0], $0xffff  }
0x1ce: {  	v7 =	vld.idx.msk [tilespmem:v7+s0+$0x0], $0xffff  }
0x1cf: {  	v14 =	vld.idx.msk [tilespmem:v6+s0+$0x0], $0xffff  }
0x1d0: {  	v1 =	vld [tilespmem:s1+$0xFFFFFFC0];
	vm4 =	vgt.s32 v0, $0x0  }
0x1d1: {  	v5 =	vld [tilespmem:s1+$0xFFFFFFD0]  }
0x1d2: {  	v2 =	vld [tilespmem:s1+$0xFFFFFFE0]  }
0x1d3: {  	v3 =	vld [tilespmem:s1+$0xFFFFFFF0];
	vm2 =	vgt.s32 v8, $0x0  }
0x1d4: {  	v4 =	vld [tilespmem:s1+$0x0];
	vm6 =	vgt.s32 v7, $0x0  }
0x1d5: {  	s2 =	simm.s32 $0xED00;
	v6 =	vld [tilespmem:s1+$0x10];
	vm0 =	vgt.s32 v61, $0x0;
	vm1 =	vgt.s32 v62, $0x0;
	v0 =	vimm.s32 $0x1  }
0x1d6: {  	s3 =	simm.s32 $0x0;
	s4 =	simm.s32 $0xC0;
	vm3 =	vgt.s32 v12, $0x0;
	vm5 =	vgt.s32 v14, $0x0;
	v7 =	vld [tilespmem:s1+$0x20];
	[tilespmem:v63+s2+$0x0] =	vst.idx.msk vm4, v0;
	vm4 =	vgt.s32 v13, $0x0  }
.LBB2_11:
0x1d7: {  	v8 =	vld [tilespmem:s4+$0x30];
	s3 =	sadd.s32 $0x80, s3  }
0x1d8: {  	v9 =	vld [tilespmem:s4+$0xFFFFFFD0];
	p0 =	slt.u32 s3, $0x4D80  }
0x1d9: {  	v10 =	vld [tilespmem:s4+$0xFFFFFFE0];
	[tilespmem:v5+s2+$0x0] =	vst.idx.msk vm2, v0  }
0x1da: {  	v5 =	vld [tilespmem:s4+$0xFFFFFFF0];
	[tilespmem:v1+s2+$0x0] =	vst.idx.msk vm6, v0  }
0x1db: {  	v1 =	vld [tilespmem:s4+$0x0];
	[tilespmem:v2+s2+$0x0] =	vst.idx.msk vm0, v0  }
0x1dc: {  	v2 =	vld [tilespmem:s4+$0x10];
	[tilespmem:v3+s2+$0x0] =	vst.idx.msk vm1, v0  }
0x1dd: {  	v3 =	vld [tilespmem:s4+$0x20];
	[tilespmem:v4+s2+$0x0] =	vst.idx.msk vm3, v0  }
0x1de: {  	v4 =	vld [tilespmem:s4+$0xFFFFFFC0];
	[tilespmem:v6+s2+$0x0] =	vst.idx.msk vm4, v0  }
0x1df: {  	v6 =	vld.idx.msk [tilespmem:v8+s0+$0x0], $0xffff;
	[tilespmem:v7+s2+$0x0] =	vst.idx.msk vm5, v0  }
0x1e0: {  	v7 =	vld.idx.msk [tilespmem:v9+s0+$0x0], $0xffff  }
0x1e1: {  	v8 =	vld.idx.msk [tilespmem:v10+s0+$0x0], $0xffff  }
0x1e2: {  	s1 =	sadd.s32 $0x80, s1;
	v5 =	vld.idx.msk [tilespmem:v5+s0+$0x0], $0xffff  }
0x1e3: {  	v9 =	vld [tilespmem:s1+$0x30]  }
0x1e4: {  	v10 =	vld.idx.msk [tilespmem:v1+s0+$0x0], $0xffff  }
0x1e5: {  	vm5 =	vgt.s32 v6, $0x0;
	v11 =	vld.idx.msk [tilespmem:v2+s0+$0x0], $0xffff  }
0x1e6: {  	vm2 =	vgt.s32 v7, $0x0;
	v4 =	vld.idx.msk [tilespmem:v4+s0+$0x0], $0xffff  }
0x1e7: {  	vm0 =	vgt.s32 v8, $0x0;
	v7 =	vld.idx.msk [tilespmem:v3+s0+$0x0], $0xffff  }
0x1e8: {  	vm1 =	vgt.s32 v5, $0x0;
	v1 =	vld [tilespmem:s1+$0xFFFFFFC0]  }
0x1e9: {  	v5 =	vld [tilespmem:s1+$0xFFFFFFD0]  }
.Ltmp5:
0x1ea: {  	vm3 =	vgt.s32 v10, $0x0;
	v2 =	vld [tilespmem:s1+$0xFFFFFFE0];
	(pc) =	sbr.rel @p0 .LBB2_11-.Ltmp5, $4  }
0x1eb: {  	vm4 =	vgt.s32 v11, $0x0;
	v3 =	vld [tilespmem:s1+$0xFFFFFFF0];
	[tilespmem:v9+s2+$0x0] =	vst.idx.msk vm5, v0  }
0x1ec: {  	vm6 =	vgt.s32 v4, $0x0;
	v4 =	vld [tilespmem:s1+$0x0]  }
0x1ed: {  	vm5 =	vgt.s32 v7, $0x0;
	v6 =	vld [tilespmem:s1+$0x10]  }
0x1ee: {  	s4 =	sadd.s32 $0x80, s4;
	v7 =	vld [tilespmem:s1+$0x20]  }
0x1ef: {  	_ =	sdelay $0x4  }
0x1f0: {  	[tilespmem:v5+s2+$0x0] =	vst.idx.msk vm2, v0  }
0x1f1: {  	[tilespmem:v1+s2+$0x0] =	vst.idx.msk vm6, v0  }
0x1f2: {  	[tilespmem:v2+s2+$0x0] =	vst.idx.msk vm0, v0  }
0x1f3: {  	[tilespmem:v3+s2+$0x0] =	vst.idx.msk vm1, v0  }
0x1f4: {  	[tilespmem:v4+s2+$0x0] =	vst.idx.msk vm3, v0  }
0x1f5: {  	s0 =	simm.s32 $0x4DF0;
	s1 =	simm.s32 $0x9C80;
	[tilespmem:v6+s2+$0x0] =	vst.idx.msk vm4, v0  }
0x1f6: {  	s3 =	simm.s32 $0xC500;
	s4 =	simm.s32 $0xED00;
	[tilespmem:v7+s2+$0x0] =	vst.idx.msk vm5, v0;
	s2 =	simm.s32 $0x4E00;
	v0 =	vimm.s32 $0x1  }
.LBB2_13:
0x1f7: {  	v1 =	vld [tilespmem:s2+$0x0];
	_ =	sdelay $0x7  }
0x1f8: {  	v1 =	vld.idx.msk [tilespmem:v1+s3+$0x0], $0xffff;
	_ =	sdelay $0x2  }
0x1f9: {  	v2 =	vld [tilespmem:s1+$0x0];
	_ =	sdelay $0x1  }
0x1fa: {  	s0 =	sadd.s32 $0x10, s0;
	vm0 =	vgt.s32 v1, $0x0  }
0x1fb: {  	p0 =	slt.u32 s0, $0x4E10  }
.Ltmp6:
0x1fc: {  	_ = 	snop;
	(pc) =	sbr.rel @p0 .LBB2_13-.Ltmp6, $2  }
0x1fd: {  	_ =	sdelay $0x2  }
0x1fe: {  	s1 =	sadd.s32 $0x10, s1;
	s2 =	sadd.s32 $0x10, s2;
	[tilespmem:v2+s4+$0x0] =	vst.idx.msk vm0, v0  }
0x1ff: {  	s0 =	simm.s32 $0x80;
	s1 =	simm.s32 $0x400  }
0x200: {  	s2 =	simm.s32 $0xED00;
	s3 =	rddreg [dreg:$0x13];
	s20 =	simm.s32 $0x4  }
0x201: {  	[spmem:s3] =	stream.strided.scatter [tilespmem:s2], [sflag:$0x4], $0x2800, s1, s0, $0x38;
	[tilespmem:$0x17580] =	vst v63  }
0x202: {  	_ =	swait.ge [sflag:s20], $0x2800  }
0x203: {  	[sflag:s20] =	ssyncset.done $0x0  }
0x204: {  	s21 =	simm.s32 $0x1400;
	[sflag:s20] =	ssyncadd.s32 $0xFFFFD800  }
0x205: {  	s22 =	simm.s32 $0x14000;
	s23 =	simm.s32 $0x11900;
	[bflag:$0x0] =	sbarrier.arrive $0xFFFF  }
0x206: {  	s24 =	simm.s32 $0x0;
	s9 =	simm.s32 $0x0;
	s4 =	rddreg [dreg:$0x14]  }
0x207: {  	[tilespmem:s23], [sflag:$0x4] =	stream.strided.gather [spmem:s4], $0x2800, s22, s21, $0x38;
	[tilespmem:$0x17580] =	vst v63  }
0x208: {  	s11 =	sand.u32 $0x40, s9;
	s5 =	sand.u32 $0x1C00, s24;
	_ =	swait.ge [sflag:s20], $0x2800  }
0x209: {  	s1 =	sadd.s32 $0x11900, s5;
	s6 =	sor.u32 $0x30, s11;
	[sflag:s20] =	ssyncset.done $0x0  }
0x20a: {  	s25 =	sor.u32 s6, s1;
	[sflag:s20] =	ssyncadd.s32 $0xFFFFD800  }
0x20b: {  	s8 =	sor.u32 $0x10, s11;
	v0 =	vld [tilespmem:s25+$0x0]  }
0x20c: {  	s10 =	sor.u32 s8, s1;
	v1 =	vld [tilespmem:s25+$0x80]  }
0x20d: {  	v3 =	vld [tilespmem:s10+$0x0]  }
0x20e: {  	v2 =	vld [tilespmem:s25+$0x100]  }
0x20f: {  	s7 =	sor.u32 $0x20, s11;
	v4 =	vld [tilespmem:s10+$0x80]  }
0x210: {  	s12 =	sor.u32 s7, s1;
	v5 =	vld [tilespmem:s25+$0x180]  }
0x211: {  	v8 =	vld [tilespmem:s12+$0x0]  }
0x212: {  	v6 =	vld [tilespmem:s25+$0x200]  }
0x213: {  	v12 =	vld [tilespmem:s12+$0x80]  }
0x214: {  	s13 =	sor.u32 s11, s1;
	v7 =	vld [tilespmem:s25+$0x280]  }
0x215: {  	v14 =	vld [tilespmem:s13+$0x0]  }
0x216: {  	v9 =	vld [tilespmem:s25+$0x300]  }
0x217: {  	v15 =	vld [tilespmem:s13+$0x80]  }
0x218: {  	s14 =	sadd.s32 $0x12D00, s5;
	v10 =	vld [tilespmem:s25+$0x380]  }
0x219: {  	s26 =	sor.u32 s6, s14;
	v24 =	vld [tilespmem:s10+$0x100]  }
0x21a: {  	s15 =	sadd.s32 $0x12D80, s5;
	v32 =	vld [tilespmem:s26+$0x0]  }
0x21b: {  	s28 =	sor.u32 s6, s15;
	v34 =	vld [tilespmem:s12+$0x100]  }
0x21c: {  	s16 =	sadd.s32 $0x12E00, s5;
	v35 =	vld [tilespmem:s28+$0x0]  }
0x21d: {  	s29 =	sor.u32 s6, s16;
	v36 =	vld [tilespmem:s13+$0x100]  }
0x21e: {  	s30 =	sadd.s32 $0x12E80, s5;
	v37 =	vld [tilespmem:s29+$0x0]  }
0x21f: {  	s31 =	sor.u32 s6, s30;
	v38 =	vld [tilespmem:s10+$0x180]  }
0x220: {  	s3 =	sadd.s32 $0x12F00, s5;
	v39 =	vld [tilespmem:s31+$0x0]  }
0x221: {  	s1 =	sor.u32 s6, s3;
	v40 =	vld [tilespmem:s12+$0x180]  }
0x222: {  	s2 =	sadd.s32 $0x12F80, s5;
	v41 =	vld [tilespmem:s1+$0x0]  }
0x223: {  	s17 =	sor.u32 s6, s2;
	v42 =	vld [tilespmem:s13+$0x180]  }
0x224: {  	v43 =	vld [tilespmem:s17+$0x0]  }
0x225: {  	v44 =	vld [tilespmem:s10+$0x200]  }
0x226: {  	v46 =	vld [tilespmem:s12+$0x200]  }
0x227: {  	v48 =	vld [tilespmem:s13+$0x200]  }
0x228: {  	v49 =	vld [tilespmem:s10+$0x280]  }
0x229: {  	v50 =	vld [tilespmem:s12+$0x280]  }
0x22a: {  	v33 =	vld [tilespmem:s13+$0x280]  }
0x22b: {  	v31 =	vld [tilespmem:s10+$0x300]  }
0x22c: {  	v30 =	vld [tilespmem:s12+$0x300]  }
0x22d: {  	v29 =	vld [tilespmem:s13+$0x300]  }
0x22e: {  	v26 =	vld [tilespmem:s10+$0x380]  }
0x22f: {  	v27 =	vld [tilespmem:s12+$0x380]  }
0x230: {  	s18 =	sor.u32 s8, s14;
	v28 =	vld [tilespmem:s13+$0x380]  }
0x231: {  	s19 =	sor.u32 s7, s14;
	v22 =	vld [tilespmem:s18+$0x0];
	vm0 =	vgt.s32 v0, v1  }
0x232: {  	s20 =	sor.u32 s11, s14;
	v25 =	vld [tilespmem:s19+$0x0];
	v0 =	vsel vm0, v0, v1  }
0x233: {  	s21 =	sor.u32 s8, s15;
	v23 =	vld [tilespmem:s20+$0x0];
	vm0 =	vgt.s32 v0, v2  }
0x234: {  	s22 =	sor.u32 s7, s15;
	v19 =	vld [tilespmem:s21+$0x0];
	v0 =	vsel vm0, v0, v2  }
0x235: {  	s23 =	sor.u32 s11, s15;
	v20 =	vld [tilespmem:s22+$0x0];
	vm0 =	vgt.s32 v0, v5  }
0x236: {  	s0 =	sadd.s32 $0x13080, s5;
	s24 =	sor.u32 s8, s16;
	v21 =	vld [tilespmem:s23+$0x0];
	v0 =	vsel vm0, v0, v5  }
0x237: {  	s1 =	sadd.s32 $0x13000, s5;
	s5 =	sor.u32 s6, s0;
	v18 =	vld [tilespmem:s24+$0x0];
	vm0 =	vgt.s32 v0, v6  }
0x238: {  	s25 =	sor.u32 s7, s16;
	v47 =	vld [tilespmem:s5+$0x0];
	v0 =	vsel vm0, v0, v6  }
0x239: {  	s26 =	sor.u32 s11, s16;
	v17 =	vld [tilespmem:s25+$0x0];
	vm0 =	vgt.s32 v0, v7  }
0x23a: {  	s28 =	sor.u32 s8, s30;
	v16 =	vld [tilespmem:s26+$0x0];
	v0 =	vsel vm0, v0, v7  }
0x23b: {  	s29 =	sor.u32 s7, s30;
	v13 =	vld [tilespmem:s28+$0x0];
	vm0 =	vgt.s32 v0, v9  }
0x23c: {  	s4 =	sor.u32 s11, s30;
	s17 =	sor.u32 s6, s1;
	v11 =	vld [tilespmem:s29+$0x0];
	v0 =	vsel vm0, v0, v9  }
0x23d: {  	s15 =	sor.u32 s7, s0;
	s14 =	sor.u32 s8, s0;
	s5 =	sor.u32 s8, s2;
	v45 =	vld [tilespmem:s17+$0x0];
	vm0 =	vgt.s32 v0, v10  }
0x23e: {  	s30 =	sor.u32 s8, s3;
	s31 =	sor.u32 s7, s3;
	s10 =	sor.u32 s7, s2;
	v1 =	vld [tilespmem:s5+$0x0];
	v0 =	vsel vm0, v0, v10  }
0x23f: {  	s3 =	sor.u32 s11, s3;
	s21 =	sor.u32 s11, s0;
	s2 =	sor.u32 s11, s2;
	v2 =	vld [tilespmem:s10+$0x0];
	vm0 =	vgt.s32 v0, v32  }
0x240: {  	s13 =	sor.u32 s7, s1;
	s5 =	simm.s32 $0x200;
	v6 =	vld [tilespmem:s3+$0x0];
	s3 =	simm.s32 $0x40;
	v0 =	vsel vm0, v0, v32  }
0x241: {  	s12 =	sor.u32 s8, s1;
	s16 =	sand.u32 $0x1C00, s5;
	v5 =	vld [tilespmem:s13+$0x0];
	s10 =	sand.u32 $0x40, s3;
	vm0 =	vgt.s32 v0, v35  }
0x242: {  	s1 =	sor.u32 s11, s1;
	s0 =	sadd.s32 $0x11900, s16;
	v7 =	vld [tilespmem:s31+$0x0];
	s11 =	sor.u32 $0x10, s10;
	v0 =	vsel vm0, v0, v35  }
0x243: {  	s23 =	sor.u32 s11, s0;
	v9 =	vld [tilespmem:s30+$0x0];
	vm0 =	vgt.s32 v3, v4;
	vm1 =	vgt.s32 v0, v37  }
0x244: {  	v52 =	vld [tilespmem:s23+$0x0];
	v60 =	vsel vm0, v3, v4;
	vm0 =	vgt.s32 v8, v12;
	v0 =	vsel vm1, v0, v37  }
0x245: {  	v55 =	vld [tilespmem:s23+$0x80];
	v12 =	vsel vm0, v8, v12;
	vm0 =	vgt.s32 v14, v15;
	vm1 =	vgt.s32 v0, v39  }
0x246: {  	v10 =	vld [tilespmem:s4+$0x0];
	v14 =	vsel vm0, v14, v15;
	vm0 =	vgt.s32 v60, v24;
	v0 =	vsel vm1, v0, v39  }
0x247: {  	v3 =	vld [tilespmem:s2+$0x0];
	v61 =	vsel vm0, v60, v24;
	vm0 =	vgt.s32 v12, v34;
	vm1 =	vgt.s32 v0, v41  }
0x248: {  	v4 =	vld [tilespmem:s12+$0x0];
	v62 =	vsel vm0, v12, v34;
	vm0 =	vgt.s32 v14, v36;
	v0 =	vsel vm1, v0, v41  }
0x249: {  	s12 =	sor.u32 $0x30, s10;
	v8 =	vld [tilespmem:s1+$0x0];
	v63 =	vsel vm0, v14, v36;
	vm0 =	vgt.s32 v61, v38;
	vm1 =	vgt.s32 v0, v43  }
0x24a: {  	s22 =	sor.u32 s12, s0;
	v15 =	vld [tilespmem:s21+$0x0];
	v41 =	vsel vm0, v61, v38;
	vm0 =	vgt.s32 v62, v40;
	v0 =	vsel vm1, v0, v43  }
0x24b: {  	v51 =	vld [tilespmem:s22+$0x80];
	v43 =	vsel vm0, v62, v40;
	vm0 =	vgt.s32 v63, v42;
	vm1 =	vgt.s32 v0, v45  }
0x24c: {  	v53 =	vld [tilespmem:s22+$0x100];
	v32 =	vsel vm0, v63, v42;
	vm0 =	vgt.s32 v41, v44;
	v0 =	vsel vm1, v0, v45  }
0x24d: {  	v56 =	vld [tilespmem:s22+$0x180];
	v34 =	vsel vm0, v41, v44;
	vm0 =	vgt.s32 v43, v46;
	vm1 =	vgt.s32 v0, v47  }
0x24e: {  	v57 =	vld [tilespmem:s22+$0x200];
	v35 =	vsel vm0, v43, v46;
	vm0 =	vgt.s32 v32, v48;
	v0 =	vsel vm1, v0, v47  }
0x24f: {  	s18 =	sadd.s32 $0x12E80, s16;
	v58 =	vld [tilespmem:s22+$0x280];
	v54 =	vsel vm0, v32, v48;
	vm0 =	vgt.s32 v34, v49;
	vm1 =	vgt.s32 v35, v50  }
0x250: {  	s28 =	sor.u32 s12, s18;
	v59 =	vld [tilespmem:s22+$0x300];
	v34 =	vsel vm0, v34, v49;
	vm0 =	vgt.s32 v54, v33;
	v35 =	vsel vm1, v35, v50  }
0x251: {  	v37 =	vld [tilespmem:s28+$0x0];
	v33 =	vsel vm0, v54, v33;
	vm0 =	vgt.s32 v34, v31;
	vm1 =	vgt.s32 v35, v30  }
0x252: {  	v60 =	vld [tilespmem:s22+$0x380];
	v31 =	vsel vm0, v34, v31;
	vm0 =	vgt.s32 v33, v29;
	v30 =	vsel vm1, v35, v30  }
0x253: {  	v12 =	vld [tilespmem:s14+$0x0];
	v29 =	vsel vm0, v33, v29;
	vm0 =	vgt.s32 v31, v26;
	vm1 =	vgt.s32 v30, v27  }
0x254: {  	v36 =	vld [tilespmem:s22+$0x0];
	v26 =	vsel vm0, v31, v26;
	vm0 =	vgt.s32 v29, v28;
	v27 =	vsel vm1, v30, v27  }
0x255: {  	s21 =	sadd.s32 $0x12D00, s16;
	v14 =	vld [tilespmem:s15+$0x0];
	v28 =	vsel vm0, v29, v28;
	vm0 =	vgt.s32 v26, v22;
	vm1 =	vgt.s32 v27, v25  }
0x256: {  	s20 =	sadd.s32 $0x12D80, s16;
	s24 =	sor.u32 s12, s21;
	v61 =	vld [tilespmem:s23+$0x100];
	v22 =	vsel vm0, v26, v22;
	vm0 =	vgt.s32 v28, v23;
	v25 =	vsel vm1, v27, v25  }
0x257: {  	s25 =	sor.u32 s12, s20;
	s15 =	sadd.s32 $0x12F80, s16;
	v62 =	vld [tilespmem:s24+$0x0];
	v23 =	vsel vm0, v28, v23;
	vm0 =	vgt.s32 v22, v19;
	vm1 =	vgt.s32 v25, v20  }
0x258: {  	s17 =	sadd.s32 $0x12F00, s16;
	s30 =	sor.u32 s12, s15;
	v63 =	vld [tilespmem:s25+$0x0];
	v19 =	vsel vm0, v22, v19;
	vm0 =	vgt.s32 v23, v21;
	v20 =	vsel vm1, v25, v20  }
0x259: {  	s13 =	sadd.s32 $0x13000, s16;
	s29 =	sor.u32 s12, s17;
	v42 =	vld [tilespmem:s30+$0x0];
	vm1 =	vgt.s32 v36, v51;
	v21 =	vsel vm0, v23, v21;
	vm0 =	vgt.s32 v19, v18  }
0x25a: {  	s31 =	sor.u32 s12, s13;
	v41 =	vld [tilespmem:s29+$0x0];
	v36 =	vsel vm1, v36, v51;
	v18 =	vsel vm0, v19, v18;
	vm0 =	vgt.s32 v20, v17  }
0x25b: {  	s14 =	sadd.s32 $0x13080, s16;
	v45 =	vld [tilespmem:s31+$0x0];
	vm1 =	vgt.s32 v21, v16;
	v17 =	vsel vm0, v20, v17;
	vm0 =	vgt.s32 v36, v53  }
0x25c: {  	s1 =	sor.u32 s12, s14;
	v43 =	vld [tilespmem:s23+$0x200];
	v16 =	vsel vm1, v21, v16;
	vm1 =	vgt.s32 v18, v13;
	v19 =	vsel vm0, v36, v53  }
0x25d: {  	v46 =	vld [tilespmem:s1+$0x0];
	v13 =	vsel vm1, v18, v13;
	vm0 =	vgt.s32 v17, v11;
	vm1 =	vgt.s32 v19, v56  }
0x25e: {  	s19 =	sadd.s32 $0x12E00, s16;
	s16 =	sor.u32 $0x20, s10;
	v48 =	vld [tilespmem:s23+$0x280];
	v11 =	vsel vm0, v17, v11;
	vm0 =	vgt.s32 v16, v10;
	v44 =	vsel vm1, v19, v56  }
0x25f: {  	s2 =	sor.u32 s16, s0;
	v49 =	vld [tilespmem:s23+$0x380];
	v10 =	vsel vm0, v16, v10;
	vm0 =	vgt.s32 v13, v9;
	vm1 =	vgt.s32 v44, v57  }
0x260: {  	v50 =	vld [tilespmem:s2+$0x180];
	v9 =	vsel vm0, v13, v9;
	vm0 =	vgt.s32 v11, v7;
	v47 =	vsel vm1, v44, v57  }
0x261: {  	v54 =	vld [tilespmem:s2+$0x380];
	vm1 =	vgt.s32 v10, v6;
	v7 =	vsel vm0, v11, v7;
	vm0 =	vgt.s32 v47, v58  }
0x262: {  	s26 =	sor.u32 s12, s19;
	v35 =	vld [tilespmem:s23+$0x180];
	v6 =	vsel vm1, v10, v6;
	vm1 =	vgt.s32 v9, v1;
	v10 =	vsel vm0, v47, v58  }
0x263: {  	v31 =	vld [tilespmem:s26+$0x0];
	v1 =	vsel vm1, v9, v1;
	vm0 =	vgt.s32 v7, v2;
	vm1 =	vgt.s32 v10, v59  }
0x264: {  	v51 =	vld [tilespmem:s2+$0x200];
	v2 =	vsel vm0, v7, v2;
	vm0 =	vgt.s32 v6, v3;
	v7 =	vsel vm1, v10, v59  }
0x265: {  	v9 =	vld [tilespmem:s2+$0x0];
	v3 =	vsel vm0, v6, v3;
	vm0 =	vgt.s32 v1, v4;
	vm1 =	vgt.s32 v7, v60  }
0x266: {  	s0 =	sor.u32 s10, s0;
	v10 =	vld [tilespmem:s2+$0x80];
	v1 =	vsel vm0, v1, v4;
	vm0 =	vgt.s32 v2, v5;
	v4 =	vsel vm1, v7, v60  }
0x267: {  	v6 =	vld [tilespmem:s0+$0x0];
	vm1 =	vgt.s32 v3, v8;
	v2 =	vsel vm0, v2, v5;
	vm0 =	vgt.s32 v4, v62  }
0x268: {  	v7 =	vld [tilespmem:s0+$0x80];
	v3 =	vsel vm1, v3, v8;
	vm1 =	vgt.s32 v1, v12;
	v4 =	vsel vm0, v4, v62  }
0x269: {  	v53 =	vld [tilespmem:s2+$0x300];
	v12 =	vsel vm1, v1, v12;
	vm0 =	vgt.s32 v2, v14;
	vm1 =	vgt.s32 v4, v63  }
0x26a: {  	v5 =	vld [tilespmem:s2+$0x100];
	v2 =	vsel vm0, v2, v14;
	vm0 =	vgt.s32 v3, v15;
	v4 =	vsel vm1, v4, v63  }
0x26b: {  	v8 =	vld [tilespmem:s0+$0x100];
	v1 =	vsel vm0, v3, v15;
	vm0 =	vgt.s32 v52, v55;
	vm1 =	vgt.s32 v4, v31  }
0x26c: {  	v56 =	vld [tilespmem:s0+$0x380];
	v52 =	vsel vm0, v52, v55;
	vm0 =	vgt.s32 v9, v10;
	v4 =	vsel vm1, v4, v31  }
0x26d: {  	v11 =	vld [tilespmem:s23+$0x300];
	v9 =	vsel vm0, v9, v10;
	vm0 =	vgt.s32 v6, v7;
	vm1 =	vgt.s32 v4, v37  }
0x26e: {  	s4 =	sor.u32 s11, s21;
	v6 =	vsel vm0, v6, v7;
	vm0 =	vgt.s32 v52, v61;
	v7 =	vld [tilespmem:s0+$0x180];
	v4 =	vsel vm1, v4, v37  }
0x26f: {  	s22 =	sor.u32 s16, s21;
	v57 =	vld [tilespmem:s4+$0x0];
	v10 =	vsel vm0, v52, v61;
	vm0 =	vgt.s32 v9, v5;
	vm1 =	vgt.s32 v4, v41  }
0x270: {  	v58 =	vld [tilespmem:s22+$0x0];
	v5 =	vsel vm0, v9, v5;
	vm0 =	vgt.s32 v6, v8;
	v4 =	vsel vm1, v4, v41  }
0x271: {  	v55 =	vld [tilespmem:s0+$0x200];
	v6 =	vsel vm0, v6, v8;
	vm0 =	vgt.s32 v10, v35;
	vm1 =	vgt.s32 v4, v42  }
0x272: {  	v3 =	vld [tilespmem:s2+$0x280];
	v10 =	vsel vm0, v10, v35;
	vm0 =	vgt.s32 v5, v50;
	v4 =	vsel vm1, v4, v42  }
0x273: {  	s24 =	sor.u32 s11, s20;
	v9 =	vld [tilespmem:s0+$0x280];
	v5 =	vsel vm0, v5, v50;
	vm0 =	vgt.s32 v6, v7;
	vm1 =	vgt.s32 v4, v45  }
0x274: {  	v59 =	vld [tilespmem:s24+$0x0];
	v6 =	vsel vm0, v6, v7;
	vm0 =	vgt.s32 v10, v43;
	v4 =	vsel vm1, v4, v45  }
0x275: {  	s26 =	sor.u32 s10, s20;
	v8 =	vld [tilespmem:s0+$0x300];
	v7 =	vsel vm0, v10, v43;
	vm0 =	vgt.s32 v5, v51;
	vm1 =	vgt.s32 v4, v46  }
0x276: {  	s4 =	sor.u32 s11, s17;
	v60 =	vld [tilespmem:s26+$0x0];
	v5 =	vsel vm0, v5, v51;
	vm0 =	vgt.s32 v6, v55;
	v16 =	vsel vm1, v4, v46  }
0x277: {  	s1 =	sor.u32 s16, s18;
	v63 =	vld [tilespmem:s4+$0x0];
	v6 =	vsel vm0, v6, v55;
	vm0 =	vgt.s32 v7, v48;
	vm1 =	vgt.s32 v5, v3  }
0x278: {  	s23 =	sor.u32 s10, s21;
	v61 =	vld [tilespmem:s1+$0x0];
	v7 =	vsel vm0, v7, v48;
	vm0 =	vgt.s32 v6, v9;
	v3 =	vsel vm1, v5, v3  }
0x279: {  	s25 =	sor.u32 s16, s20;
	v10 =	vld [tilespmem:s23+$0x0];
	v6 =	vsel vm0, v6, v9;
	vm0 =	vgt.s32 v7, v11;
	vm1 =	vgt.s32 v3, v53  }
0x27a: {  	s28 =	sor.u32 s11, s19;
	v4 =	vld [tilespmem:s25+$0x0];
	v7 =	vsel vm0, v7, v11;
	v3 =	vsel vm1, v3, v53;
	vm0 =	vgt.s32 v6, v8  }
0x27b: {  	s29 =	sor.u32 s16, s19;
	v5 =	vld [tilespmem:s28+$0x0];
	v6 =	vsel vm0, v6, v8;
	vm0 =	vgt.s32 v7, v49;
	vm1 =	vgt.s32 v3, v54  }
0x27c: {  	s30 =	sor.u32 s10, s19;
	v9 =	vld [tilespmem:s29+$0x0];
	v7 =	vsel vm0, v7, v49;
	v3 =	vsel vm1, v3, v54;
	vm0 =	vgt.s32 v6, v56  }
0x27d: {  	s31 =	sor.u32 s11, s18;
	v8 =	vld [tilespmem:s30+$0x0];
	v6 =	vsel vm0, v6, v56;
	vm0 =	vgt.s32 v7, v57;
	vm1 =	vgt.s32 v3, v58  }
0x27e: {  	s2 =	sor.u32 s10, s18;
	v11 =	vld [tilespmem:s31+$0x0];
	v7 =	vsel vm0, v7, v57;
	vm0 =	vgt.s32 v6, v10;
	v3 =	vsel vm1, v3, v58  }
0x27f: {  	s19 =	sor.u32 s16, s17;
	s18 =	sand.u32 $0x380, s9;
	v62 =	vld [tilespmem:s2+$0x0];
	v6 =	vsel vm0, v6, v10;
	vm0 =	vgt.s32 v7, v59;
	vm1 =	vgt.s32 v3, v4  }
0x280: {  	s21 =	sor.u32 s10, s17;
	s20 =	sadd.s32 $0x14380, s18;
	v10 =	vld [tilespmem:s19+$0x0];
	v7 =	vsel vm0, v7, v59;
	v4 =	vsel vm1, v3, v4;
	vm0 =	vgt.s32 v6, v60  }
0x281: {  	s17 =	sor.u32 s16, s14;
	s23 =	sor.u32 s6, s20;
	s25 =	sor.u32 s16, s15;
	v3 =	vld [tilespmem:s21+$0x0];
	v6 =	vsel vm0, v6, v60;
	vm0 =	vgt.s32 v7, v5;
	vm1 =	vgt.s32 v4, v9  }
0x282: {  	s24 =	sor.u32 s11, s15;
	s0 =	sor.u32 s7, s20;
	[tilespmem:s23+$0x0] =	vst v0;
	v0 =	vld [tilespmem:s25+$0x0];
	s28 =	sor.u32 s10, s15;
	v5 =	vsel vm0, v7, v5;
	v7 =	vsel vm1, v4, v9;
	vm0 =	vgt.s32 v6, v8  }
0x283: {  	s26 =	sand.u32 $0x380, s3;
	s18 =	sor.u32 s11, s14;
	s22 =	sor.u32 s8, s20;
	[tilespmem:s0+$0x0] =	vst v2;
	v2 =	vld [tilespmem:s28+$0x0];
	v6 =	vsel vm0, v6, v8;
	vm0 =	vgt.s32 v5, v11;
	vm1 =	vgt.s32 v7, v61  }
0x284: {  	[tilespmem:s22+$0x0] =	vst v12;
	s1 =	sadd.s32 $0x14380, s26;
	s6 =	simm.s32 $0x14380;
	s29 =	sor.u32 s11, s13;
	v4 =	vld [tilespmem:s24+$0x0];
	v8 =	vsel vm0, v5, v11;
	v9 =	vsel vm1, v7, v61;
	vm0 =	vgt.s32 v6, v62  }
0x285: {  	[tilespmem:s6+$0x0] =	vst v1;
	s15 =	sor.u32 s10, s14;
	s31 =	sor.u32 s12, s1;
	s30 =	sor.u32 s16, s13;
	v5 =	vld [tilespmem:s29+$0x0];
	v7 =	vsel vm0, v6, v62;
	vm0 =	vgt.s32 v8, v63;
	vm1 =	vgt.s32 v9, v10  }
0x286: {  	s14 =	sor.u32 s11, s1;
	[tilespmem:s31+$0x0] =	vst v16;
	s19 =	sor.u32 s10, s13;
	s13 =	sor.u32 s16, s1;
	v6 =	vld [tilespmem:s30+$0x0];
	v8 =	vsel vm0, v8, v63;
	vm0 =	vgt.s32 v7, v3;
	v1 =	vsel vm1, v9, v10  }
.LBB2_15:
0x287: {  	s3 =	sadd.s32 $0x40, s3;
	s5 =	sadd.s32 $0x200, s5  }
0x288: {  	s16 =	sand.u32 $0x40, s3;
	s20 =	sand.u32 $0x1C00, s5  }
0x289: {  	s0 =	sadd.s32 $0x11900, s20;
	s10 =	sor.u32 $0x30, s16  }
0x28a: {  	v3 =	vsel vm0, v7, v3;
	v7 =	vld [tilespmem:s19+$0x0];
	s1 =	sor.u32 s10, s0  }
0x28b: {  	vm0 =	vgt.s32 v8, v4;
	v9 =	vld [tilespmem:s1+$0x0]  }
0x28c: {  	vm1 =	vgt.s32 v3, v2;
	v4 =	vsel vm0, v8, v4;
	v8 =	vld [tilespmem:s18+$0x0]  }
0x28d: {  	vm0 =	vgt.s32 v1, v0;
	v2 =	vsel vm1, v3, v2;
	v3 =	vld [tilespmem:s15+$0x0]  }
0x28e: {  	v0 =	vsel vm0, v1, v0;
	v1 =	vld [tilespmem:s17+$0x0];
	vm0 =	vgt.s32 v4, v5  }
0x28f: {  	s11 =	sor.u32 $0x10, s16;
	vm1 =	vgt.s32 v2, v7;
	v4 =	vsel vm0, v4, v5;
	v5 =	vld [tilespmem:s1+$0x80]  }
0x290: {  	s8 =	sor.u32 s11, s0;
	vm0 =	vgt.s32 v0, v6;
	v2 =	vsel vm1, v2, v7;
	v7 =	vld [tilespmem:s1+$0x100]  }
0x291: {  	v0 =	vsel vm0, v0, v6;
	v6 =	vld [tilespmem:s8+$0x0];
	vm0 =	vgt.s32 v4, v8  }
0x292: {  	vm1 =	vgt.s32 v2, v3;
	v4 =	vsel vm0, v4, v8;
	v8 =	vld [tilespmem:s8+$0x80]  }
0x293: {  	s6 =	sadd.s32 $0x40, s6;
	vm0 =	vgt.s32 v0, v1;
	v2 =	vsel vm1, v2, v3;
	v3 =	vld [tilespmem:s1+$0x200]  }
0x294: {  	s12 =	sor.u32 $0x20, s16;
	v0 =	vsel vm0, v0, v1;
	v1 =	vld [tilespmem:s1+$0x180];
	vm0 =	vgt.s32 v9, v5;
	[tilespmem:s6+$0x0] =	vst v2  }
0x295: {  	s9 =	sor.u32 s12, s0;
	[tilespmem:s13+$0x0] =	vst v0;
	v2 =	vsel vm0, v9, v5;
	v5 =	vld [tilespmem:s1+$0x280]  }
0x296: {  	v0 =	vld [tilespmem:s9+$0x0]  }
0x297: {  	s7 =	sor.u32 s16, s0;
	[tilespmem:s14+$0x0] =	vst v4;
	v4 =	vld [tilespmem:s9+$0x80];
	vm0 =	vgt.s32 v2, v7  }
0x298: {  	v2 =	vsel vm0, v2, v7;
	v7 =	vld [tilespmem:s7+$0x0];
	vm1 =	vgt.s32 v6, v8  }
0x299: {  	v6 =	vsel vm1, v6, v8;
	vm0 =	vgt.s32 v2, v1;
	v8 =	vld [tilespmem:s7+$0x80]  }
0x29a: {  	v1 =	vsel vm0, v2, v1;
	v2 =	vld [tilespmem:s1+$0x300]  }
0x29b: {  	s17 =	sadd.s32 $0x12D00, s20;
	v9 =	vld [tilespmem:s8+$0x100];
	vm0 =	vgt.s32 v1, v3  }
0x29c: {  	s19 =	sor.u32 s10, s17;
	vm1 =	vgt.s32 v0, v4;
	v1 =	vsel vm0, v1, v3;
	v3 =	vld [tilespmem:s1+$0x380]  }
0x29d: {  	v0 =	vsel vm1, v0, v4;
	v4 =	vld [tilespmem:s19+$0x0];
	vm0 =	vgt.s32 v1, v5  }
0x29e: {  	s21 =	sadd.s32 $0x12D80, s20;
	v1 =	vsel vm0, v1, v5;
	v5 =	vld [tilespmem:s9+$0x100];
	vm1 =	vgt.s32 v7, v8  }
0x29f: {  	s23 =	sor.u32 s10, s21;
	vm0 =	vgt.s32 v1, v2;
	v7 =	vsel vm1, v7, v8;
	v8 =	vld [tilespmem:s7+$0x100]  }
0x2a0: {  	s25 =	sadd.s32 $0x12E00, s20;
	vm1 =	vgt.s32 v6, v9;
	v1 =	vsel vm0, v1, v2;
	v2 =	vld [tilespmem:s23+$0x0]  }
0x2a1: {  	s29 =	sor.u32 s10, s25;
	v6 =	vsel vm1, v6, v9;
	v9 =	vld [tilespmem:s8+$0x180];
	vm0 =	vgt.s32 v1, v3  }
0x2a2: {  	s30 =	sadd.s32 $0x12E80, s20;
	v1 =	vsel vm0, v1, v3;
	v3 =	vld [tilespmem:s29+$0x0]  }
0x2a3: {  	s31 =	sor.u32 s10, s30;
	v10 =	vld [tilespmem:s8+$0x280];
	vm0 =	vgt.s32 v1, v4  }
0x2a4: {  	vm1 =	vgt.s32 v0, v5;
	v1 =	vsel vm0, v1, v4;
	v4 =	vld [tilespmem:s31+$0x0]  }
0x2a5: {  	s4 =	sadd.s32 $0x12F00, s20;
	v0 =	vsel vm1, v0, v5;
	v5 =	vld [tilespmem:s9+$0x180];
	vm1 =	vgt.s32 v7, v8;
	vm0 =	vgt.s32 v1, v2  }
0x2a6: {  	s13 =	sor.u32 s10, s4;
	v7 =	vsel vm1, v7, v8;
	v8 =	vld [tilespmem:s7+$0x180];
	v1 =	vsel vm0, v1, v2  }
0x2a7: {  	s24 =	sor.u32 s11, s17;
	s18 =	sor.u32 s12, s17;
	s14 =	sadd.s32 $0x12F80, s20;
	vm1 =	vgt.s32 v6, v9;
	v2 =	vld [tilespmem:s13+$0x0];
	vm0 =	vgt.s32 v1, v3  }
0x2a8: {  	s0 =	sor.u32 s16, s17;
	s17 =	sadd.s32 $0x13000, s20;
	s15 =	sor.u32 s10, s14;
	v6 =	vsel vm1, v6, v9;
	v9 =	vld [tilespmem:s8+$0x200];
	v1 =	vsel vm0, v1, v3  }
0x2a9: {  	[dreg:$0xa] =	wrdreg s18;
	s18 =	sor.u32 s10, s17;
	v3 =	vld [tilespmem:s15+$0x0];
	vm0 =	vgt.s32 v1, v4  }
0x2aa: {  	s26 =	sor.u32 s11, s21;
	s22 =	sor.u32 s12, s21;
	s28 =	sor.u32 s12, s25;
	vm1 =	vgt.s32 v0, v5;
	v1 =	vsel vm0, v1, v4;
	v4 =	vld [tilespmem:s18+$0x0]  }
0x2ab: {  	[dreg:$0x7] =	wrdreg s22;
	s22 =	sor.u32 s11, s4;
	s15 =	sadd.s32 $0x13080, s20;
	v0 =	vsel vm1, v0, v5;
	v5 =	vld [tilespmem:s9+$0x200];
	vm1 =	vgt.s32 v7, v8  }
0x2ac: {  	[dreg:$0xf] =	wrdreg s0;
	s0 =	sor.u32 s16, s21;
	s20 =	sor.u32 s10, s15;
	vm0 =	vgt.s32 v1, v2;
	v7 =	vsel vm1, v7, v8;
	v8 =	vld [tilespmem:s7+$0x200]  }
0x2ad: {  	[dreg:$0x10] =	wrdreg s0;
	s0 =	sor.u32 s16, s25;
	s29 =	sor.u32 s12, s4;
	v1 =	vsel vm0, v1, v2;
	v2 =	vld [tilespmem:s20+$0x0]  }
0x2ae: {  	s21 =	sor.u32 s12, s17;
	[dreg:$0x11] =	wrdreg s0;
	s0 =	sor.u32 s11, s17;
	v11 =	vld [tilespmem:s29+$0x0];
	vm1 =	vgt.s32 v6, v9;
	vm0 =	vgt.s32 v1, v3  }
0x2af: {  	s19 =	sor.u32 s16, s17;
	s23 =	sor.u32 s11, s25;
	s25 =	sor.u32 s16, s30;
	v1 =	vsel vm0, v1, v3;
	v3 =	vsel vm1, v6, v9;
	v6 =	vld [tilespmem:s9+$0x280]  }
0x2b0: {  	s31 =	sor.u32 s16, s4;
	s4 =	sor.u32 s16, s14;
	s17 =	sor.u32 s12, s15;
	v9 =	vld [tilespmem:s7+$0x280];
	vm0 =	vgt.s32 v1, v4  }
0x2b1: {  	s18 =	sor.u32 s11, s15;
	s15 =	sor.u32 s16, s15;
	s16 =	sand.u32 $0x380, s3;
	vm1 =	vgt.s32 v0, v5;
	v1 =	vsel vm0, v1, v4;
	v4 =	vld [tilespmem:s8+$0x300]  }
0x2b2: {  	s20 =	sadd.s32 $0x14380, s16;
	v0 =	vsel vm1, v0, v5;
	vm1 =	vgt.s32 v7, v8;
	v5 =	vld [tilespmem:s9+$0x300];
	vm0 =	vgt.s32 v1, v2  }
0x2b3: {  	s10 =	sor.u32 s10, s20;
	v1 =	vsel vm0, v1, v2;
	v2 =	vsel vm1, v7, v8;
	v7 =	vld [tilespmem:s7+$0x300];
	vm0 =	vgt.s32 v3, v10  }
0x2b4: {  	[tilespmem:s10+$0x0] =	vst v1;
	v1 =	vsel vm0, v3, v10;
	v3 =	vld [tilespmem:s8+$0x380];
	vm0 =	vgt.s32 v0, v6  }
0x2b5: {  	s2 =	sor.u32 s11, s30;
	v0 =	vsel vm0, v0, v6;
	v6 =	vld [tilespmem:s9+$0x380]  }
0x2b6: {  	[dreg:$0xb] =	wrdreg s28;
	s28 =	sor.u32 s12, s30;
	s1 =	sor.u32 s11, s14;
	v8 =	vld [tilespmem:s7+$0x380];
	vm1 =	vgt.s32 v2, v9;
	vm0 =	vgt.s32 v1, v4  }
0x2b7: {  	s30 =	sor.u32 s12, s14;
	s14 =	sor.u32 s11, s20;
	s11 =	rddreg [dreg:$0xa];
	v2 =	vsel vm1, v2, v9;
	v1 =	vsel vm0, v1, v4;
	v4 =	vld [tilespmem:s24+$0x0];
	vm0 =	vgt.s32 v0, v5  }
0x2b8: {  	s13 =	sor.u32 s12, s20;
	s12 =	rddreg [dreg:$0xf];
	vm1 =	vgt.s32 v2, v7;
	v0 =	vsel vm0, v0, v5;
	v5 =	vld [tilespmem:s11+$0x0]  }
0x2b9: {  	v2 =	vsel vm1, v2, v7;
	v7 =	vld [tilespmem:s12+$0x0];
	vm0 =	vgt.s32 v1, v3  }
0x2ba: {  	s16 =	rddreg [dreg:$0x7];
	v1 =	vsel vm0, v1, v3;
	v3 =	vld [tilespmem:s26+$0x0];
	vm0 =	vgt.s32 v0, v6  }
0x2bb: {  	s20 =	rddreg [dreg:$0x10];
	vm1 =	vgt.s32 v2, v8;
	v0 =	vsel vm0, v0, v6;
	v6 =	vld [tilespmem:s16+$0x0]  }
0x2bc: {  	v2 =	vsel vm1, v2, v8;
	v8 =	vld [tilespmem:s20+$0x0]  }
0x2bd: {  	v9 =	vld [tilespmem:s2+$0x0];
	vm0 =	vgt.s32 v1, v4  }
0x2be: {  	s24 =	rddreg [dreg:$0xb];
	v1 =	vsel vm0, v1, v4;
	v4 =	vld [tilespmem:s23+$0x0];
	vm0 =	vgt.s32 v0, v5  }
0x2bf: {  	s26 =	rddreg [dreg:$0x11];
	vm1 =	vgt.s32 v2, v7;
	v0 =	vsel vm0, v0, v5;
	v5 =	vld [tilespmem:s24+$0x0];
	vm0 =	vgt.s32 v1, v3  }
0x2c0: {  	v2 =	vsel vm1, v2, v7;
	v7 =	vld [tilespmem:s26+$0x0];
	v1 =	vsel vm0, v1, v3;
	vm0 =	vgt.s32 v0, v6  }
0x2c1: {  	vm1 =	vgt.s32 v2, v8;
	v0 =	vsel vm0, v0, v6;
	v6 =	vld [tilespmem:s28+$0x0]  }
0x2c2: {  	v2 =	vsel vm1, v2, v8;
	v8 =	vld [tilespmem:s25+$0x0]  }
0x2c3: {  	v10 =	vld [tilespmem:s22+$0x0];
	vm0 =	vgt.s32 v1, v4  }
0x2c4: {  	p0 =	slt.u32 s3, $0x240;
	v3 =	vld [tilespmem:s31+$0x0];
	v1 =	vsel vm0, v1, v4;
	vm0 =	vgt.s32 v0, v5  }
.Ltmp7:
0x2c5: {  	v4 =	vld [tilespmem:s1+$0x0];
	vm1 =	vgt.s32 v2, v7;
	v0 =	vsel vm0, v0, v5;
	vm0 =	vgt.s32 v1, v9;
	(pc) =	sbr.rel @p0 .LBB2_15-.Ltmp7, $4  }
0x2c6: {  	v5 =	vld [tilespmem:s0+$0x0];
	v2 =	vsel vm1, v2, v7;
	v1 =	vsel vm0, v1, v9;
	vm0 =	vgt.s32 v0, v6  }
0x2c7: {  	vm1 =	vgt.s32 v2, v8;
	v6 =	vsel vm0, v0, v6;
	v0 =	vld [tilespmem:s30+$0x0]  }
0x2c8: {  	v7 =	vsel vm1, v2, v8;
	v2 =	vld [tilespmem:s4+$0x0];
	vm0 =	vgt.s32 v1, v10;
	vm1 =	vgt.s32 v6, v11  }
0x2c9: {  	v8 =	vsel vm0, v1, v10;
	vm0 =	vgt.s32 v7, v3;
	v1 =	vsel vm1, v6, v11;
	v6 =	vld [tilespmem:s21+$0x0]  }
0x2ca: {  	v9 =	vld [tilespmem:s19+$0x0]  }
0x2cb: {  	v10 =	vld [tilespmem:s18+$0x0]  }
0x2cc: {  	vm1 =	vgt.s32 v8, v4;
	v11 =	vld [tilespmem:s17+$0x0]  }
0x2cd: {  	v3 =	vsel vm0, v7, v3;
	v7 =	vld [tilespmem:s15+$0x0];
	v4 =	vsel vm1, v8, v4;
	vm5 =	vgt.s32 v1, v0  }
0x2ce: {  	vm7 =	vgt.s32 v4, v5;
	vm6 =	vgt.s32 v3, v2;
	v0 =	vsel vm5, v1, v0  }
0x2cf: {  	v1 =	vsel vm6, v3, v2;
	v2 =	vsel vm7, v4, v5;
	vm8 =	vgt.s32 v0, v6  }
0x2d0: {  	vm1 =	vgt.s32 v1, v9;
	v0 =	vsel vm8, v0, v6;
	vm9 =	vgt.s32 v2, v10  }
0x2d1: {  	v1 =	vsel vm1, v1, v9;
	v2 =	vsel vm9, v2, v10;
	vm10 =	vgt.s32 v0, v11  }
0x2d2: {  	vm1 =	vgt.s32 v1, v7;
	[tilespmem:s14+$0x0] =	vst v2;
	v0 =	vsel vm10, v0, v11  }
0x2d3: {  	s0 =	sadd.s32 $0x40, s6;
	v1 =	vsel vm1, v1, v7;
	[tilespmem:s13+$0x0] =	vst v0  }
0x2d4: {  	s31 =	simm.s32 $0x14120;
	[tilespmem:s0+$0x0] =	vst v1  }
0x2d5: {  	s1 =	simm.s32 $0x143A0;
	v0 =	vld [tilespmem:s31+$0x10]  }
0x2d6: {  	v1 =	vld [tilespmem:s1+$0x10]  }
0x2d7: {  	v2 =	vld [tilespmem:s31+$0xFFFFFFF0]  }
0x2d8: {  	v3 =	vld [tilespmem:s1+$0xFFFFFFF0]  }
0x2d9: {  	v5 =	vld [tilespmem:s31+$0x0]  }
0x2da: {  	v6 =	vld [tilespmem:s1+$0x0]  }
0x2db: {  	v7 =	vld [tilespmem:s31+$0xFFFFFFE0]  }
0x2dc: {  	s4 =	simm.s32 $0x14160;
	v4 =	vld [tilespmem:s1+$0xFFFFFFE0];
	vm11 =	vgt.s32 v0, v1;
	v8 =	vcvt.s32.f32 v2  }
0x2dd: {  	s2 =	simm.s32 $0x143E0;
	s1 =	simm.s32 $0x14620;
	v9 =	vld [tilespmem:s4+$0x10];
	v1 =	vsel vm11, v0, v1;
	v0 =	vcvt.s32.f32 v0  }
0x2de: {  	v10 =	vld [tilespmem:s2+$0x10];
	vm12 =	vgt.s32 v2, v3;
	v1 =	vcvt.s32.f32 v1;
	[tilespmem:s1+$0xFFFFFFF0] =	vst v8  }
0x2df: {  	s0 =	simm.s32 $0x148A0;
	v11 =	vcvt.s32.f32 v5;
	v2 =	vsel vm12, v2, v3;
	v3 =	vld [tilespmem:s2+$0xFFFFFFF0];
	[tilespmem:s1+$0x10] =	vst v0  }
0x2e0: {  	vm13 =	vgt.s32 v5, v6;
	v12 =	vcvt.s32.f32 v7;
	[tilespmem:s0+$0x10] =	vst v1;
	v1 =	vld [tilespmem:s4+$0xFFFFFFF0]  }
0x2e1: {  	vm14 =	vgt.s32 v7, v4;
	v5 =	vsel vm13, v5, v6;
	v8 =	vcvt.s32.f32 v2;
	[tilespmem:s1+$0x0] =	vst v11;
	v2 =	vld [tilespmem:s4+$0x0]  }
0x2e2: {  	v11 =	vcvt.s32.f32 v5;
	v5 =	vsel vm14, v7, v4;
	v4 =	vld [tilespmem:s2+$0x0];
	[tilespmem:s1+$0xFFFFFFE0] =	vst v12  }
0x2e3: {  	vm15 =	vgt.s32 v9, v10;
	v0 =	vld [tilespmem:s2+$0xFFFFFFE0];
	v7 =	vcvt.s32.f32 v5;
	[tilespmem:s0+$0xFFFFFFF0] =	vst v8  }
0x2e4: {  	s3 =	simm.s32 $0x40;
	v6 =	vcvt.s32.f32 v9;
	v5 =	vld [tilespmem:s4+$0xFFFFFFE0];
	v8 =	vsel vm15, v9, v10;
	s4 =	simm.s32 $0x141A0;
	[tilespmem:s0+$0x0] =	vst v11  }
.LBB2_17:
0x2e5: {  	v9 =	vld [tilespmem:s4+$0x10];
	v10 =	vcvt.s32.f32 v1;
	v8 =	vcvt.s32.f32 v8;
	s2 =	sadd.s32 $0x40, s2;
	[tilespmem:s0+$0xFFFFFFE0] =	vst v7;
	s1 =	sadd.s32 $0x40, s1  }
0x2e6: {  	s3 =	sadd.s32 $0x40, s3;
	s0 =	sadd.s32 $0x40, s0;
	v11 =	vld [tilespmem:s2+$0x10];
	vm0 =	vgt.s32 v1, v3;
	[tilespmem:s1+$0x10] =	vst v6  }
0x2e7: {  	p0 =	slt.u32 s3, $0x240;
	v12 =	vld [tilespmem:s2+$0xFFFFFFE0];
	v3 =	vsel vm0, v1, v3;
	v6 =	vcvt.s32.f32 v2;
	[tilespmem:s0+$0x10] =	vst v8  }
.Ltmp8:
0x2e8: {  	v1 =	vld [tilespmem:s4+$0xFFFFFFF0];
	[tilespmem:s1+$0xFFFFFFF0] =	vst v10;
	v7 =	vcvt.s32.f32 v3;
	vm0 =	vgt.s32 v2, v4;
	(pc) =	sbr.rel @p0 .LBB2_17-.Ltmp8, $4  }
0x2e9: {  	v3 =	vld [tilespmem:s2+$0xFFFFFFF0];
	vm1 =	vgt.s32 v5, v0;
	v8 =	vcvt.s32.f32 v5;
	v4 =	vsel vm0, v2, v4;
	[tilespmem:s1+$0x0] =	vst v6  }
0x2ea: {  	v2 =	vld [tilespmem:s4+$0x0];
	v13 =	vsel vm1, v5, v0;
	[tilespmem:s0+$0xFFFFFFF0] =	vst v7;
	v10 =	vcvt.s32.f32 v4  }
0x2eb: {  	v4 =	vld [tilespmem:s2+$0x0];
	vm0 =	vgt.s32 v9, v11;
	[tilespmem:s1+$0xFFFFFFE0] =	vst v8;
	v7 =	vcvt.s32.f32 v13  }
0x2ec: {  	v6 =	vcvt.s32.f32 v9;
	v5 =	vld [tilespmem:s4+$0xFFFFFFE0];
	v8 =	vsel vm0, v9, v11;
	s4 =	sadd.s32 $0x40, s4;
	[tilespmem:s0+$0x0] =	vst v10;
	v0 =	vmov v12  }
0x2ed: {  	v8 =	vcvt.s32.f32 v8;
	[tilespmem:s0+$0xFFFFFFE0] =	vst v7;
	s1 =	sadd.s32 $0x40, s1  }
0x2ee: {  	v60 =	vcvt.s32.f32 v1;
	s26 =	sadd.s32 $0x40, s0;
	vm0 =	vgt.s32 v1, v3;
	[tilespmem:s1+$0x10] =	vst v6  }
0x2ef: {  	v1 =	vsel vm0, v1, v3;
	v61 =	vcvt.s32.f32 v2;
	[tilespmem:s26+$0x10] =	vst v8  }
0x2f0: {  	[tilespmem:s1+$0xFFFFFFF0] =	vst v60;
	v1 =	vcvt.s32.f32 v1;
	vm15 =	vgt.s32 v2, v4  }
0x2f1: {  	v62 =	vcvt.s32.f32 v5;
	v2 =	vsel vm15, v2, v4;
	[tilespmem:s1+$0x0] =	vst v61  }
0x2f2: {  	[tilespmem:s26+$0xFFFFFFF0] =	vst v1;
	v63 =	vcvt.s32.f32 v2  }
0x2f3: {  	vm1 =	vgt.s32 v5, v0;
	[tilespmem:s1+$0xFFFFFFE0] =	vst v62  }
0x2f4: {  	v0 =	vsel vm1, v5, v0;
	[tilespmem:s26+$0x0] =	vst v63  }
0x2f5: {  	v0 =	vcvt.s32.f32 v0;
	s1 =	rddreg [dreg:$0x12]  }
0x2f6: {  	s28 =	rddreg [dreg:$0x2];
	s29 =	simm.s32 $0x0;
	s1 =	sshrl.u32 s1, $0x3  }
0x2f7: {  	s2 =	simm.s32 $0x14600;
	s30 =	simm.s32 $0x4;
	[tilespmem:s26+$0xFFFFFFE0] =	vst v0;
	s0 =	sadd.s32 s28, s1  }
0x2f8: {  	[hbm4b:s0+s29] =	stream.linear.scatter [tilespmem:s2], [sflag:$0x4], $0x280, $0x38;
	[tilespmem:$0x17580] =	vst v63  }
0x2f9: {  	_ =	swait.ge [sflag:s30], $0x280  }
0x2fa: {  	[sflag:s30] =	ssyncset.done $0x0  }
0x2fb: {  	s3 =	simm.s32 $0x14880;
	s0 =	sadd.s32 $0x500, s0;
	[sflag:s30] =	ssyncadd.s32 $0xFFFFFD80  }
0x2fc: {  	[hbm4b:s0+s29] =	stream.linear.scatter [tilespmem:s3], [sflag:$0x4], $0x280, $0x38;
	[tilespmem:$0x17580] =	vst v63  }
0x2fd: {  	_ =	swait.ge [sflag:s30], $0x280  }
0x2fe: {  	[sflag:s30] =	ssyncset.done $0x0  }
0x2ff: {  	[sflag:s30] =	ssyncadd.s32 $0xFFFFFD80  }
0x300: {  	_ =	sfence.sel $0x180000  }
0x301: {  	[bflag:$0x0] =	sbarrier.arrive $0xFFFF  }
0x302: {  	_ =	strace $0x90000047  }
0x303: {  	s31 =	stileid.u32;
	[bflag:$0x2] =	sbarrier.arrive $0xFFFF  }
0x304: {  	p0 =	sne.s32 s31, $0x0;
	s0 =	rddreg [dreg:$0x5]  }
0x305: {  	s0 =	sadd.s32 @!p0 $0x100000, s0  }
0x306: {  	[sflag:s0] =	ssyncadd.tile.s32 @!p0 $0x1;
	_ =	shalt  }
.Lfunc_end2:
_tile_overlayer_lowered:
.L_overlay_start_2:
0x307: {  	(tag) =	ssettag $0x2  }
0x308: {  	s0 =	rddreg [dreg:$0x0];
	s2 =	stileid.u32  }
0x309: {  	s1 =	rddreg [dreg:$0x1];
	p0 =	sne.s32 s2, $0x0  }
0x30a: {  	s3 =	rddreg [dreg:$0x2];
	[bflag:$0x3] =	sbarrier.arrive $0xFFFF;
	s2 =	simm.s32 @!p0 $0x1C04  }
0x30b: {  	[timem:s3], [sflag:s2] =	dma.local @!p0 [hbm:s0], s1  }
0x30c: {  	s0 =	simm.s32 @!p0 $0x4  }
0x30d: {  	_ =	swait.ge @!p0 [sflag:s0], s1  }
0x30e: {  	s1 =	ssub.s32 @!p0 $0x0, s1;
	[sflag:s0] =	ssyncset.done @!p0 $0x0  }
0x30f: {  	[sflag:s0] =	ssyncadd.s32 @!p0 s1  }
0x310: {  	[bflag:$0x3] =	sbarrier.arrive $0xFFFF  }
0x311: {  	_ =	shalt  }

</sc_bundles>
